<compile_context>
chip_gen: v7x
topology: tpu7x:2x2x1
jax: 0.10.2.dev20260603
libtpu: 0.0.44.dev20260713+nightly
codegen_flags: <defaults>
</compile_context>

<pallas_src>
import functools

import jax
import jax.numpy as jnp
from jax import lax
from jax.experimental import pallas as pl
from jax.experimental.pallas import tpu as pltpu
from jax.experimental.pallas import tpu_sc as plsc

N_NODES = 10000
N_EDGES = 160000
D_IN = 128
D_H = 64

NC = 2
NS = 16
NW = NC * NS
G = 128
GPW = 40
GPW0 = 80
E_PAD = NW * GPW * G
ACC_ROWS = 10112
RPS = ACC_ROWS // NS


def _sc_degree_body(dst2d, ones_hbm, zeros_hbm, out, didx_v, ones_v, acc):
    c = lax.axis_index("c")
    s = lax.axis_index("s")
    w = c * NS + s
    pltpu.sync_copy(dst2d.at[pl.ds(w * GPW, GPW)], didx_v)
    pltpu.sync_copy(ones_hbm, ones_v)
    pltpu.sync_copy(zeros_hbm.at[pl.ds(s * RPS, RPS)], acc.at[pl.ds(s * RPS, RPS)])
    plsc.subcore_barrier()

    def body(j, carry):
        pltpu.sync_copy(ones_v, acc.at[didx_v.at[j]], add=True)
        return carry

    lax.fori_loop(0, GPW, body, 0)
    plsc.subcore_barrier()
    pltpu.sync_copy(acc.at[pl.ds(s * RPS, RPS)], out.at[c, pl.ds(s * RPS, RPS)])


KB = 4


def _sc_aggregate_body(src2d, dst2d, table, zeros_hbm, out,
                       sidx_v, didx_v, rows_v, sem_g, acc):
    s = lax.axis_index("s")
    pltpu.sync_copy(src2d.at[pl.ds(s * GPW0, GPW0)], sidx_v)
    pltpu.sync_copy(dst2d.at[pl.ds(s * GPW0, GPW0)], didx_v)
    pltpu.sync_copy(zeros_hbm.at[pl.ds(s * RPS, RPS)],
                    acc.at[pl.ds(s * RPS, RPS)])
    plsc.subcore_barrier()

    for i in range(KB):
        pltpu.async_copy(table.at[sidx_v.at[i]], rows_v.at[i], sem_g.at[i])

    def body(j, carry):
        slot = lax.rem(j, KB)
        pltpu.make_async_copy(table.at[sidx_v.at[j]], rows_v.at[slot],
                              sem_g.at[slot]).wait()
        pltpu.sync_copy(rows_v.at[slot], acc.at[didx_v.at[j]], add=True)

        @pl.when(j + KB < GPW0)
        def _refire():
            pltpu.async_copy(table.at[sidx_v.at[j + KB]], rows_v.at[slot],
                             sem_g.at[slot])

        return carry

    lax.fori_loop(0, GPW0, body, 0)

    plsc.subcore_barrier()
    pltpu.sync_copy(acc.at[pl.ds(s * RPS, RPS)],
                    out.at[pl.ds(s * RPS, RPS)])


@functools.cache
def _sc_kernels():
    mesh = plsc.VectorSubcoreMesh(core_axis_name="c", subcore_axis_name="s")
    params = pltpu.CompilerParams(use_tc_tiling_on_sc=False)
    degree = pl.kernel(
        _sc_degree_body,
        mesh=mesh,
        compiler_params=params,
        out_type=jax.ShapeDtypeStruct((NC, ACC_ROWS, 16), jnp.float32),
        scratch_types=[
            pltpu.VMEM((GPW, G), jnp.int32),
            pltpu.VMEM((G, 16), jnp.float32),
            pltpu.VMEM_SHARED((ACC_ROWS, 16), jnp.float32),
        ],
    )
    mesh1 = plsc.VectorSubcoreMesh(core_axis_name="c", subcore_axis_name="s",
                                   num_cores=1)
    aggregate = pl.kernel(
        _sc_aggregate_body,
        mesh=mesh1,
        compiler_params=params,
        out_type=jax.ShapeDtypeStruct((ACC_ROWS, D_H), jnp.float32),
        scratch_types=[
            pltpu.VMEM((GPW0, G), jnp.int32),
            pltpu.VMEM((GPW0, G), jnp.int32),
            pltpu.VMEM((KB, G, D_H), jnp.float32),
            pltpu.SemaphoreType.DMA((KB,)),
            pltpu.VMEM_SHARED((ACC_ROWS, D_H), jnp.float32),
        ],
    )
    return degree, aggregate



_TN = 2000


def _tc_scale1_body(deg_ref, x_ref, w1_ref, hs_ref, dis_ref):
    deg = deg_ref[0, :, 0:1] + deg_ref[1, :, 0:1] + 1.0
    dis = lax.rsqrt(deg)
    h = jnp.dot(x_ref[...], w1_ref[...], preferred_element_type=jnp.float32)
    hs_ref[...] = h * dis
    dis_ref[...] = dis


def _tc_combine1_body(raw_ref, hs1_ref, dis_ref, w2_ref, b1_ref, hs2_ref):
    agg = raw_ref[...] + hs1_ref[...]
    emb1 = jnp.maximum(dis_ref[...] * agg + b1_ref[...], 0.0)
    h2 = jnp.dot(emb1, w2_ref[...], preferred_element_type=jnp.float32)
    hs2_ref[...] = h2 * dis_ref[...]


def _tc_combine2_body(raw_ref, hs2_ref, dis_ref, b2_ref, emb2_ref):
    agg = raw_ref[...] + hs2_ref[...]
    emb2_ref[...] = dis_ref[...] * agg + b2_ref[...]


_KT = 16000


def _tc_head_body(flat_ref, wf1t_ref, bf1_ref, wf2_ref, bf2_ref, wf3_ref,
                  bf3_ref, q_ref, acc_ref):
    i = pl.program_id(0)

    @pl.when(i == 0)
    def _init():
        acc_ref[...] = jnp.zeros_like(acc_ref)

    acc_ref[...] += lax.dot_general(
        flat_ref[...], wf1t_ref[...], (((1,), (1,)), ((), ())),
        preferred_element_type=jnp.float32)

    @pl.when(i == pl.num_programs(0) - 1)
    def _finish():
        z1 = jnp.maximum(acc_ref[...] + bf1_ref[...], 0.0)
        z2 = jnp.maximum(
            jnp.dot(z1, wf2_ref[...], preferred_element_type=jnp.float32)
            + bf2_ref[...], 0.0)
        q_ref[...] = (jnp.dot(z2, wf3_ref[...],
                              preferred_element_type=jnp.float32)
                      + bf3_ref[...])


def _tc_scale1(deg_part, x, W1):
    grid = (N_NODES // _TN,)
    return pl.pallas_call(
        _tc_scale1_body,
        grid=grid,
        in_specs=[
            pl.BlockSpec((NC, _TN, 16), lambda i: (0, i, 0)),
            pl.BlockSpec((_TN, D_IN), lambda i: (i, 0)),
            pl.BlockSpec((D_IN, D_H), lambda i: (0, 0)),
        ],
        out_specs=[
            pl.BlockSpec((_TN, D_H), lambda i: (i, 0)),
            pl.BlockSpec((_TN, 1), lambda i: (i, 0)),
        ],
        out_shape=[
            jax.ShapeDtypeStruct((N_NODES, D_H), jnp.float32),
            jax.ShapeDtypeStruct((N_NODES, 1), jnp.float32),
        ],
    )(deg_part, x, W1)


def _tc_combine1(raw1, hs1, dis, W2, b1):
    grid = (N_NODES // _TN,)
    return pl.pallas_call(
        _tc_combine1_body,
        grid=grid,
        in_specs=[
            pl.BlockSpec((_TN, D_H), lambda i: (i, 0)),
            pl.BlockSpec((_TN, D_H), lambda i: (i, 0)),
            pl.BlockSpec((_TN, 1), lambda i: (i, 0)),
            pl.BlockSpec((D_H, D_H), lambda i: (0, 0)),
            pl.BlockSpec((1, D_H), lambda i: (0, 0)),
        ],
        out_specs=pl.BlockSpec((_TN, D_H), lambda i: (i, 0)),
        out_shape=jax.ShapeDtypeStruct((N_NODES, D_H), jnp.float32),
    )(raw1, hs1, dis, W2, b1)


def _tc_combine2(raw2, hs2, dis, b2):
    grid = (N_NODES // _TN,)
    return pl.pallas_call(
        _tc_combine2_body,
        grid=grid,
        in_specs=[
            pl.BlockSpec((_TN, D_H), lambda i: (i, 0)),
            pl.BlockSpec((_TN, D_H), lambda i: (i, 0)),
            pl.BlockSpec((_TN, 1), lambda i: (i, 0)),
            pl.BlockSpec((1, D_H), lambda i: (0, 0)),
        ],
        out_specs=pl.BlockSpec((_TN, D_H), lambda i: (i, 0)),
        out_shape=jax.ShapeDtypeStruct((N_NODES, D_H), jnp.float32),
    )(raw2, hs2, dis, b2)


def _tc_head(flat, Wf1t, bf1, Wf2, bf2, Wf3, bf3):
    k_total = N_NODES * D_H
    grid = (k_total // _KT,)
    return pl.pallas_call(
        _tc_head_body,
        grid=grid,
        in_specs=[
            pl.BlockSpec((1, _KT), lambda i: (0, i)),
            pl.BlockSpec((D_H, _KT), lambda i: (0, i)),
            pl.BlockSpec((1, D_H), lambda i: (0, 0)),
            pl.BlockSpec((D_H, D_H), lambda i: (0, 0)),
            pl.BlockSpec((1, D_H), lambda i: (0, 0)),
            pl.BlockSpec((D_H, 1), lambda i: (0, 0)),
            pl.BlockSpec((1, 1), lambda i: (0, 0)),
        ],
        out_specs=pl.BlockSpec((1, 1), lambda i: (0, 0)),
        out_shape=jax.ShapeDtypeStruct((1, 1), jnp.float32),
        scratch_shapes=[pltpu.VMEM((1, D_H), jnp.float32)],
    )(flat, Wf1t, bf1, Wf2, bf2, Wf3, bf3)



def kernel(x, edge_index, W1, b1, W2, b2, Wf1, bf1, Wf2, bf2, Wf3, bf3):
    src = edge_index[0]
    dst = edge_index[1]
    pad = E_PAD - N_EDGES
    src2d = jnp.concatenate(
        [src, jnp.zeros((pad,), jnp.int32)]).reshape(E_PAD // G, G)
    dst2d = jnp.concatenate(
        [dst, jnp.full((pad,), N_NODES, jnp.int32)]).reshape(E_PAD // G, G)

    ones16 = jnp.ones((G, 16), jnp.float32)
    zeros_deg = jnp.zeros((ACC_ROWS, 16), jnp.float32)
    zeros_acc = jnp.zeros((ACC_ROWS, D_H), jnp.float32)

    sc_degree, sc_aggregate = _sc_kernels()
    deg_part = sc_degree(dst2d, ones16, zeros_deg)
    hs1, dis = _tc_scale1(deg_part, x, W1)
    raw1 = sc_aggregate(src2d, dst2d, hs1, zeros_acc)
    hs2 = _tc_combine1(raw1, hs1, dis, W2, b1.reshape(1, D_H))
    raw2 = sc_aggregate(src2d, dst2d, hs2, zeros_acc)
    emb2 = _tc_combine2(raw2, hs2, dis, b2.reshape(1, D_H))
    flat = emb2.reshape(1, N_NODES * D_H)
    q = _tc_head(flat, Wf1.T, bf1.reshape(1, D_H), Wf2, bf2.reshape(1, D_H),
                 Wf3, bf3.reshape(1, 1))
    return q.reshape(1)

# --- scband reference (transcript-rebuilt; emitter-appended) ---
"""Pipeline reference for scband-dqn-67611375174034 (READ-ONLY COPY).

The authoritative reference and input builder live on the scoring server;
editing this copy changes nothing except your own understanding.
"""

import jax, jax.numpy as jnp
import numpy as np

N_NODES = 10000
N_EDGES = 160000
D_IN = 128
D_H = 64
NUM_TASKS = 50
OUT_DIM = 9950  # N_NODES = OUT_DIM + NUM_TASKS


def gcn_conv(x, edge_index, W, b):
    # Faithful PyG GCNConv: add self-loops, symmetric deg^-1/2 A deg^-1/2 normalization,
    # linear transform, scatter-add aggregation, bias.
    N = x.shape[0]
    loop = jnp.arange(N, dtype=edge_index.dtype)
    src = jnp.concatenate([edge_index[0], loop])
    dst = jnp.concatenate([edge_index[1], loop])
    deg = jnp.zeros((N,), dtype=x.dtype).at[dst].add(1.0)
    dis = jnp.where(deg > 0, jax.lax.rsqrt(jnp.where(deg > 0, deg, 1.0)), 0.0)
    norm = dis[src] * dis[dst]
    h = x @ W
    msg = h[src] * norm[:, None]
    out = jax.ops.segment_sum(msg, dst, num_segments=N)
    return out + b


def setup_inputs(seed: int = 0) -> dict:
    key = jax.random.key(seed)
    ks = jax.random.split(key, 12)
    x = jax.random.normal(ks[0], (N_NODES, D_IN), dtype=jnp.float32)
    edge_index = jax.random.randint(ks[1], (2, N_EDGES), 0, N_NODES, dtype=jnp.int32)
    W1 = jax.random.normal(ks[2], (D_IN, D_H), dtype=jnp.float32) / np.sqrt(D_IN)
    b1 = jnp.zeros((D_H,), dtype=jnp.float32)
    W2 = jax.random.normal(ks[3], (D_H, D_H), dtype=jnp.float32) / np.sqrt(D_H)
    b2 = jnp.zeros((D_H,), dtype=jnp.float32)
    fc1_in = D_H * (OUT_DIM + NUM_TASKS)  # 64 * 10000 = 640000
    Wf1 = jax.random.normal(ks[4], (fc1_in, D_H), dtype=jnp.float32) / np.sqrt(fc1_in)
    bf1 = jnp.zeros((D_H,), dtype=jnp.float32)
    Wf2 = jax.random.normal(ks[5], (D_H, D_H), dtype=jnp.float32) / np.sqrt(D_H)
    bf2 = jnp.zeros((D_H,), dtype=jnp.float32)
    Wf3 = jax.random.normal(ks[6], (D_H, 1), dtype=jnp.float32) / np.sqrt(D_H)
    bf3 = jnp.zeros((1,), dtype=jnp.float32)
    return {"x": x, "edge_index": edge_index, "W1": W1, "b1": b1, "W2": W2, "b2": b2,
            "Wf1": Wf1, "bf1": bf1, "Wf2": Wf2, "bf2": bf2, "Wf3": Wf3, "bf3": bf3}


def reference(x, edge_index, W1, b1, W2, b2, Wf1, bf1, Wf2, bf2, Wf3, bf3):
    emb = jax.nn.relu(gcn_conv(x, edge_index, W1, b1))
    emb = gcn_conv(emb, edge_index, W2, b2)
    flat = emb.reshape(-1)
    z = jax.nn.relu(flat @ Wf1 + bf1)
    z = jax.nn.relu(z @ Wf2 + bf2)
    q_values = z @ Wf3 + bf3
    return q_values

if __name__ == "__main__":
    import jax
    _d = setup_inputs()
    print(jax.jit(kernel)(*tuple(_d.values())))

</pallas_src>

<mosaic_0001>
#map = affine_map<(d0, d1) -> (0, 0)>
#map1 = affine_map<(d0, d1) -> (0, 0, 0)>
module attributes {stable_mosaic.version = 14 : i64} {
  func.func @_sc_degree_body(%arg0: i32, %arg1: i32, %arg2: memref<1280x128xi32, #tpu.memory_space<hbm>>, %arg3: memref<128x16xf32, #tpu.memory_space<hbm>>, %arg4: memref<10112x16xf32, #tpu.memory_space<hbm>>, %arg5: memref<2x10112x16xf32, #tpu.memory_space<hbm>>, %arg6: memref<40x128xi32, #tpu.memory_space<vmem>>, %arg7: memref<128x16xf32, #tpu.memory_space<vmem>>, %arg8: memref<10112x16xf32, #tpu.memory_space<vmem_shared>>) attributes {dimension_semantics = [#tpu.dimension_semantics<core_parallel>, #tpu.dimension_semantics<subcore_parallel>], iteration_bounds = array<i64: 2, 16>, scalar_prefetch = 0 : i64, scratch_operands = 3 : i64, tpu.core_type = #tpu.core_type<sc_vector_subcore>, window_params = [{transform_indices = #map}, {transform_indices = #map}, {transform_indices = #map}, {transform_indices = #map1}]} {
    %mul3A = arith.constant 16 : i32
    %mul3A_0 = arith.muli %arg0, %mul3A : i32
    %add3A = arith.addi %mul3A_0, %arg1 : i32
    %mul3A_1 = arith.constant 40 : i32
    %mul3A_2 = arith.muli %add3A, %mul3A_1 : i32
    "tpu.region"() ({
      %run_scoped3A = tpu.sem_alloc : memref<!tpu.dma_semaphore, #tpu.memory_space<semaphore_mem>>
      %dma_start3A = arith.constant 0 : i32
      %dma_start3A_17 = tpu.memref_slice %arg2[%mul3A_2, %dma_start3A] : memref<1280x128xi32, #tpu.memory_space<hbm>> -> memref<40x128xi32, #tpu.memory_space<hbm>>
      %dma_start3A_18 = arith.constant 0 : i32
      %dma_start3A_19 = tpu.memref_slice %arg2[%mul3A_2, %dma_start3A_18] : memref<1280x128xi32, #tpu.memory_space<hbm>> -> memref<40x128xi32, #tpu.memory_space<hbm>>
      tpu.enqueue_dma source(%dma_start3A_19 : memref<40x128xi32, #tpu.memory_space<hbm>>) target(%arg6 : memref<40x128xi32, #tpu.memory_space<vmem>>) target_semaphore(%run_scoped3A : memref<!tpu.dma_semaphore, #tpu.memory_space<semaphore_mem>>)
      %dma_wait3A = arith.constant 0 : i32
      %dma_wait3A_20 = tpu.memref_slice %arg2[%mul3A_2, %dma_wait3A] : memref<1280x128xi32, #tpu.memory_space<hbm>> -> memref<40x128xi32, #tpu.memory_space<hbm>>
      %dma_wait3A_21 = arith.constant 0 : i32
      %dma_wait3A_22 = tpu.memref_slice %arg2[%mul3A_2, %dma_wait3A_21] : memref<1280x128xi32, #tpu.memory_space<hbm>> -> memref<40x128xi32, #tpu.memory_space<hbm>>
      tpu.wait_dma2 semaphore(%run_scoped3A : memref<!tpu.dma_semaphore, #tpu.memory_space<semaphore_mem>>) src(%dma_wait3A_22 : memref<40x128xi32, #tpu.memory_space<hbm>>) dst(%arg6 : memref<40x128xi32, #tpu.memory_space<vmem>>)
      tpu.yield
    }) : () -> ()
    "tpu.region"() ({
      %run_scoped3A = tpu.sem_alloc : memref<!tpu.dma_semaphore, #tpu.memory_space<semaphore_mem>>
      tpu.enqueue_dma source(%arg3 : memref<128x16xf32, #tpu.memory_space<hbm>>) target(%arg7 : memref<128x16xf32, #tpu.memory_space<vmem>>) target_semaphore(%run_scoped3A : memref<!tpu.dma_semaphore, #tpu.memory_space<semaphore_mem>>)
      tpu.wait_dma2 semaphore(%run_scoped3A : memref<!tpu.dma_semaphore, #tpu.memory_space<semaphore_mem>>) src(%arg3 : memref<128x16xf32, #tpu.memory_space<hbm>>) dst(%arg7 : memref<128x16xf32, #tpu.memory_space<vmem>>)
      tpu.yield
    }) : () -> ()
    %mul3A_3 = arith.constant 632 : i32
    %mul3A_4 = arith.muli %arg1, %mul3A_3 : i32
    %mul3A_5 = arith.constant 632 : i32
    %mul3A_6 = arith.muli %arg1, %mul3A_5 : i32
    "tpu.region"() ({
      %run_scoped3A = tpu.sem_alloc : memref<!tpu.dma_semaphore, #tpu.memory_space<semaphore_mem>>
      %dma_start3A = arith.constant 0 : i32
      %dma_start3A_17 = tpu.memref_slice %arg8[%mul3A_6, %dma_start3A] : memref<10112x16xf32, #tpu.memory_space<vmem_shared>> -> memref<632x16xf32, #tpu.memory_space<vmem_shared>>
      %dma_start3A_18 = arith.constant 0 : i32
      %dma_start3A_19 = tpu.memref_slice %arg4[%mul3A_4, %dma_start3A_18] : memref<10112x16xf32, #tpu.memory_space<hbm>> -> memref<632x16xf32, #tpu.memory_space<hbm>>
      tpu.enqueue_dma source(%dma_start3A_19 : memref<632x16xf32, #tpu.memory_space<hbm>>) target(%dma_start3A_17 : memref<632x16xf32, #tpu.memory_space<vmem_shared>>) target_semaphore(%run_scoped3A : memref<!tpu.dma_semaphore, #tpu.memory_space<semaphore_mem>>)
      %dma_wait3A = arith.constant 0 : i32
      %dma_wait3A_20 = tpu.memref_slice %arg8[%mul3A_6, %dma_wait3A] : memref<10112x16xf32, #tpu.memory_space<vmem_shared>> -> memref<632x16xf32, #tpu.memory_space<vmem_shared>>
      %dma_wait3A_21 = arith.constant 0 : i32
      %dma_wait3A_22 = tpu.memref_slice %arg4[%mul3A_4, %dma_wait3A_21] : memref<10112x16xf32, #tpu.memory_space<hbm>> -> memref<632x16xf32, #tpu.memory_space<hbm>>
      tpu.wait_dma2 semaphore(%run_scoped3A : memref<!tpu.dma_semaphore, #tpu.memory_space<semaphore_mem>>) src(%dma_wait3A_22 : memref<632x16xf32, #tpu.memory_space<hbm>>) dst(%dma_wait3A_20 : memref<632x16xf32, #tpu.memory_space<vmem_shared>>)
      tpu.yield
    }) : () -> ()
    %barrier3A = arith.constant 0 : index
    tpu.barrier barrier_id(%barrier3A)
    %scan3A = arith.constant 0 : i32
    %scan3A_7 = arith.constant 0 : i32
    %scan3A_8 = arith.constant 40 : i32
    %scan3A_9 = arith.addi %scan3A_7, %scan3A_8 : i32
    %scan3A_10 = arith.constant 1 : i32
    scf.for %scan3A_17 = %scan3A_7 to %scan3A_9 step %scan3A_10  : i32 {
      "tpu.region"() ({
        %run_scoped3A = tpu.sem_alloc : memref<!tpu.dma_semaphore, #tpu.memory_space<semaphore_mem>>
        %dma_start3A = arith.constant 0 : i32
        %dma_start3A_18 = tpu.memref_slice %arg6[%scan3A_17, %dma_start3A] : memref<40x128xi32, #tpu.memory_space<vmem>> -> memref<1x128xi32, #tpu.memory_space<vmem>>
        %dma_start3A_19 = tpu.memref_squeeze %dma_start3A_18 : memref<1x128xi32, #tpu.memory_space<vmem>> -> memref<128xi32, #tpu.memory_space<vmem>>
        %dma_start3A_20 = arith.constant 0 : i32
        %dma_start3A_21 = arith.constant 0 : i32
        %dma_start3A_22 = tpu.memref_slice %arg8[%dma_start3A_20, %dma_start3A_21] : memref<10112x16xf32, #tpu.memory_space<vmem_shared>> -> memref<10112x16xf32, #tpu.memory_space<vmem_shared>>
        tpu.enqueue_indirect_dma source(%arg7 : memref<128x16xf32, #tpu.memory_space<vmem>>) target(%dma_start3A_22 : memref<10112x16xf32, #tpu.memory_space<vmem_shared>>) offsets(%dma_start3A_19 : memref<128xi32, #tpu.memory_space<vmem>>) semaphore(%run_scoped3A : memref<!tpu.dma_semaphore, #tpu.memory_space<semaphore_mem>>) {add = true}
        %dma_wait3A = arith.constant 0 : i32
        %dma_wait3A_23 = tpu.memref_slice %arg6[%scan3A_17, %dma_wait3A] : memref<40x128xi32, #tpu.memory_space<vmem>> -> memref<1x128xi32, #tpu.memory_space<vmem>>
        %dma_wait3A_24 = tpu.memref_squeeze %dma_wait3A_23 : memref<1x128xi32, #tpu.memory_space<vmem>> -> memref<128xi32, #tpu.memory_space<vmem>>
        %dma_wait3A_25 = arith.constant 0 : i32
        %dma_wait3A_26 = arith.constant 0 : i32
        %dma_wait3A_27 = tpu.memref_slice %arg8[%dma_wait3A_25, %dma_wait3A_26] : memref<10112x16xf32, #tpu.memory_space<vmem_shared>> -> memref<10112x16xf32, #tpu.memory_space<vmem_shared>>
        tpu.wait_indirect_dma semaphore(%run_scoped3A : memref<!tpu.dma_semaphore, #tpu.memory_space<semaphore_mem>>) src(%arg7 : memref<128x16xf32, #tpu.memory_space<vmem>>) dst(%dma_wait3A_27 : memref<10112x16xf32, #tpu.memory_space<vmem_shared>>)
        tpu.yield
      }) : () -> ()
    }
    %scan3A_11 = arith.constant 40 : i32
    %barrier3A_12 = arith.constant 0 : index
    tpu.barrier barrier_id(%barrier3A_12)
    %mul3A_13 = arith.constant 632 : i32
    %mul3A_14 = arith.muli %arg1, %mul3A_13 : i32
    %mul3A_15 = arith.constant 632 : i32
    %mul3A_16 = arith.muli %arg1, %mul3A_15 : i32
    "tpu.region"() ({
      %run_scoped3A = tpu.sem_alloc : memref<!tpu.dma_semaphore, #tpu.memory_space<semaphore_mem>>
      %dma_start3A = arith.constant 0 : i32
      %dma_start3A_17 = tpu.memref_slice %arg5[%arg0, %mul3A_16, %dma_start3A] : memref<2x10112x16xf32, #tpu.memory_space<hbm>> -> memref<1x632x16xf32, #tpu.memory_space<hbm>>
      %dma_start3A_18 = tpu.memref_squeeze %dma_start3A_17 : memref<1x632x16xf32, #tpu.memory_space<hbm>> -> memref<632x16xf32, #tpu.memory_space<hbm>>
      %dma_start3A_19 = arith.constant 0 : i32
      %dma_start3A_20 = tpu.memref_slice %arg8[%mul3A_14, %dma_start3A_19] : memref<10112x16xf32, #tpu.memory_space<vmem_shared>> -> memref<632x16xf32, #tpu.memory_space<vmem_shared>>
      tpu.enqueue_dma source(%dma_start3A_20 : memref<632x16xf32, #tpu.memory_space<vmem_shared>>) target(%dma_start3A_18 : memref<632x16xf32, #tpu.memory_space<hbm>>) target_semaphore(%run_scoped3A : memref<!tpu.dma_semaphore, #tpu.memory_space<semaphore_mem>>)
      %dma_wait3A = arith.constant 0 : i32
      %dma_wait3A_21 = tpu.memref_slice %arg5[%arg0, %mul3A_16, %dma_wait3A] : memref<2x10112x16xf32, #tpu.memory_space<hbm>> -> memref<1x632x16xf32, #tpu.memory_space<hbm>>
      %dma_wait3A_22 = tpu.memref_squeeze %dma_wait3A_21 : memref<1x632x16xf32, #tpu.memory_space<hbm>> -> memref<632x16xf32, #tpu.memory_space<hbm>>
      %dma_wait3A_23 = arith.constant 0 : i32
      %dma_wait3A_24 = tpu.memref_slice %arg8[%mul3A_14, %dma_wait3A_23] : memref<10112x16xf32, #tpu.memory_space<vmem_shared>> -> memref<632x16xf32, #tpu.memory_space<vmem_shared>>
      tpu.wait_dma2 semaphore(%run_scoped3A : memref<!tpu.dma_semaphore, #tpu.memory_space<semaphore_mem>>) src(%dma_wait3A_24 : memref<632x16xf32, #tpu.memory_space<vmem_shared>>) dst(%dma_wait3A_22 : memref<632x16xf32, #tpu.memory_space<hbm>>)
      tpu.yield
    }) : () -> ()
    return
  }
}

#map = affine_map<(d0, d1) -> (0, 0)>
module attributes {stable_mosaic.version = 14 : i64} {
  func.func @_sc_aggregate_body(%arg0: i32, %arg1: i32, %arg2: memref<1280x128xi32, #tpu.memory_space<hbm>>, %arg3: memref<1280x128xi32, #tpu.memory_space<hbm>>, %arg4: memref<10000x64xf32, #tpu.memory_space<hbm>>, %arg5: memref<10112x64xf32, #tpu.memory_space<hbm>>, %arg6: memref<10112x64xf32, #tpu.memory_space<hbm>>, %arg7: memref<80x128xi32, #tpu.memory_space<vmem>>, %arg8: memref<80x128xi32, #tpu.memory_space<vmem>>, %arg9: memref<4x128x64xf32, #tpu.memory_space<vmem>>, %arg10: memref<4x!tpu.dma_semaphore, #tpu.memory_space<semaphore_mem>>, %arg11: memref<10112x64xf32, #tpu.memory_space<vmem_shared>>) attributes {dimension_semantics = [#tpu.dimension_semantics<core_parallel>, #tpu.dimension_semantics<subcore_parallel>], iteration_bounds = array<i64: 1, 16>, scalar_prefetch = 0 : i64, scratch_operands = 5 : i64, tpu.core_type = #tpu.core_type<sc_vector_subcore>, window_params = [{transform_indices = #map}, {transform_indices = #map}, {transform_indices = #map}, {transform_indices = #map}, {transform_indices = #map}]} {
    %mul3A = arith.constant 80 : i32
    %mul3A_0 = arith.muli %arg1, %mul3A : i32
    "tpu.region"() ({
      %run_scoped3A = tpu.sem_alloc : memref<!tpu.dma_semaphore, #tpu.memory_space<semaphore_mem>>
      %dma_start3A_76 = arith.constant 0 : i32
      %dma_start3A_77 = tpu.memref_slice %arg2[%mul3A_0, %dma_start3A_76] : memref<1280x128xi32, #tpu.memory_space<hbm>> -> memref<80x128xi32, #tpu.memory_space<hbm>>
      %dma_start3A_78 = arith.constant 0 : i32
      %dma_start3A_79 = tpu.memref_slice %arg2[%mul3A_0, %dma_start3A_78] : memref<1280x128xi32, #tpu.memory_space<hbm>> -> memref<80x128xi32, #tpu.memory_space<hbm>>
      tpu.enqueue_dma source(%dma_start3A_79 : memref<80x128xi32, #tpu.memory_space<hbm>>) target(%arg7 : memref<80x128xi32, #tpu.memory_space<vmem>>) target_semaphore(%run_scoped3A : memref<!tpu.dma_semaphore, #tpu.memory_space<semaphore_mem>>)
      %dma_wait3A = arith.constant 0 : i32
      %dma_wait3A_80 = tpu.memref_slice %arg2[%mul3A_0, %dma_wait3A] : memref<1280x128xi32, #tpu.memory_space<hbm>> -> memref<80x128xi32, #tpu.memory_space<hbm>>
      %dma_wait3A_81 = arith.constant 0 : i32
      %dma_wait3A_82 = tpu.memref_slice %arg2[%mul3A_0, %dma_wait3A_81] : memref<1280x128xi32, #tpu.memory_space<hbm>> -> memref<80x128xi32, #tpu.memory_space<hbm>>
      tpu.wait_dma2 semaphore(%run_scoped3A : memref<!tpu.dma_semaphore, #tpu.memory_space<semaphore_mem>>) src(%dma_wait3A_82 : memref<80x128xi32, #tpu.memory_space<hbm>>) dst(%arg7 : memref<80x128xi32, #tpu.memory_space<vmem>>)
      tpu.yield
    }) : () -> ()
    %mul3A_1 = arith.constant 80 : i32
    %mul3A_2 = arith.muli %arg1, %mul3A_1 : i32
    "tpu.region"() ({
      %run_scoped3A = tpu.sem_alloc : memref<!tpu.dma_semaphore, #tpu.memory_space<semaphore_mem>>
      %dma_start3A_76 = arith.constant 0 : i32
      %dma_start3A_77 = tpu.memref_slice %arg3[%mul3A_2, %dma_start3A_76] : memref<1280x128xi32, #tpu.memory_space<hbm>> -> memref<80x128xi32, #tpu.memory_space<hbm>>
      %dma_start3A_78 = arith.constant 0 : i32
      %dma_start3A_79 = tpu.memref_slice %arg3[%mul3A_2, %dma_start3A_78] : memref<1280x128xi32, #tpu.memory_space<hbm>> -> memref<80x128xi32, #tpu.memory_space<hbm>>
      tpu.enqueue_dma source(%dma_start3A_79 : memref<80x128xi32, #tpu.memory_space<hbm>>) target(%arg8 : memref<80x128xi32, #tpu.memory_space<vmem>>) target_semaphore(%run_scoped3A : memref<!tpu.dma_semaphore, #tpu.memory_space<semaphore_mem>>)
      %dma_wait3A = arith.constant 0 : i32
      %dma_wait3A_80 = tpu.memref_slice %arg3[%mul3A_2, %dma_wait3A] : memref<1280x128xi32, #tpu.memory_space<hbm>> -> memref<80x128xi32, #tpu.memory_space<hbm>>
      %dma_wait3A_81 = arith.constant 0 : i32
      %dma_wait3A_82 = tpu.memref_slice %arg3[%mul3A_2, %dma_wait3A_81] : memref<1280x128xi32, #tpu.memory_space<hbm>> -> memref<80x128xi32, #tpu.memory_space<hbm>>
      tpu.wait_dma2 semaphore(%run_scoped3A : memref<!tpu.dma_semaphore, #tpu.memory_space<semaphore_mem>>) src(%dma_wait3A_82 : memref<80x128xi32, #tpu.memory_space<hbm>>) dst(%arg8 : memref<80x128xi32, #tpu.memory_space<vmem>>)
      tpu.yield
    }) : () -> ()
    %mul3A_3 = arith.constant 632 : i32
    %mul3A_4 = arith.muli %arg1, %mul3A_3 : i32
    %mul3A_5 = arith.constant 632 : i32
    %mul3A_6 = arith.muli %arg1, %mul3A_5 : i32
    "tpu.region"() ({
      %run_scoped3A = tpu.sem_alloc : memref<!tpu.dma_semaphore, #tpu.memory_space<semaphore_mem>>
      %dma_start3A_76 = arith.constant 0 : i32
      %dma_start3A_77 = tpu.memref_slice %arg11[%mul3A_6, %dma_start3A_76] : memref<10112x64xf32, #tpu.memory_space<vmem_shared>> -> memref<632x64xf32, #tpu.memory_space<vmem_shared>>
      %dma_start3A_78 = arith.constant 0 : i32
      %dma_start3A_79 = tpu.memref_slice %arg5[%mul3A_4, %dma_start3A_78] : memref<10112x64xf32, #tpu.memory_space<hbm>> -> memref<632x64xf32, #tpu.memory_space<hbm>>
      tpu.enqueue_dma source(%dma_start3A_79 : memref<632x64xf32, #tpu.memory_space<hbm>>) target(%dma_start3A_77 : memref<632x64xf32, #tpu.memory_space<vmem_shared>>) target_semaphore(%run_scoped3A : memref<!tpu.dma_semaphore, #tpu.memory_space<semaphore_mem>>)
      %dma_wait3A = arith.constant 0 : i32
      %dma_wait3A_80 = tpu.memref_slice %arg11[%mul3A_6, %dma_wait3A] : memref<10112x64xf32, #tpu.memory_space<vmem_shared>> -> memref<632x64xf32, #tpu.memory_space<vmem_shared>>
      %dma_wait3A_81 = arith.constant 0 : i32
      %dma_wait3A_82 = tpu.memref_slice %arg5[%mul3A_4, %dma_wait3A_81] : memref<10112x64xf32, #tpu.memory_space<hbm>> -> memref<632x64xf32, #tpu.memory_space<hbm>>
      tpu.wait_dma2 semaphore(%run_scoped3A : memref<!tpu.dma_semaphore, #tpu.memory_space<semaphore_mem>>) src(%dma_wait3A_82 : memref<632x64xf32, #tpu.memory_space<hbm>>) dst(%dma_wait3A_80 : memref<632x64xf32, #tpu.memory_space<vmem_shared>>)
      tpu.yield
    }) : () -> ()
    %barrier3A = arith.constant 0 : index
    tpu.barrier barrier_id(%barrier3A)
    %dma_start3A = arith.constant 0 : i32
    %dma_start3A_7 = arith.constant 0 : i32
    %dma_start3A_8 = arith.constant 0 : i32
    %dma_start3A_9 = arith.constant 0 : i32
    %dma_start3A_10 = arith.constant 0 : i32
    %dma_start3A_11 = tpu.memref_slice %arg9[%dma_start3A_7, %dma_start3A_9, %dma_start3A_10] : memref<4x128x64xf32, #tpu.memory_space<vmem>> -> memref<1x128x64xf32, #tpu.memory_space<vmem>>
    %dma_start3A_12 = tpu.memref_squeeze %dma_start3A_11 : memref<1x128x64xf32, #tpu.memory_space<vmem>> -> memref<128x64xf32, #tpu.memory_space<vmem>>
    %dma_start3A_13 = arith.constant 0 : i32
    %dma_start3A_14 = tpu.memref_slice %arg7[%dma_start3A, %dma_start3A_13] : memref<80x128xi32, #tpu.memory_space<vmem>> -> memref<1x128xi32, #tpu.memory_space<vmem>>
    %dma_start3A_15 = tpu.memref_squeeze %dma_start3A_14 : memref<1x128xi32, #tpu.memory_space<vmem>> -> memref<128xi32, #tpu.memory_space<vmem>>
    %dma_start3A_16 = arith.constant 0 : i32
    %dma_start3A_17 = arith.constant 0 : i32
    %dma_start3A_18 = tpu.memref_slice %arg4[%dma_start3A_16, %dma_start3A_17] : memref<10000x64xf32, #tpu.memory_space<hbm>> -> memref<10000x64xf32, #tpu.memory_space<hbm>>
    %dma_start3A_19 = tpu.memref_slice %arg10[%dma_start3A_8] : memref<4x!tpu.dma_semaphore, #tpu.memory_space<semaphore_mem>> -> memref<1x!tpu.dma_semaphore, #tpu.memory_space<semaphore_mem>>
    %dma_start3A_20 = tpu.memref_squeeze %dma_start3A_19 : memref<1x!tpu.dma_semaphore, #tpu.memory_space<semaphore_mem>> -> memref<!tpu.dma_semaphore, #tpu.memory_space<semaphore_mem>>
    tpu.enqueue_indirect_dma source(%dma_start3A_18 : memref<10000x64xf32, #tpu.memory_space<hbm>>) target(%dma_start3A_12 : memref<128x64xf32, #tpu.memory_space<vmem>>) offsets(%dma_start3A_15 : memref<128xi32, #tpu.memory_space<vmem>>) semaphore(%dma_start3A_20 : memref<!tpu.dma_semaphore, #tpu.memory_space<semaphore_mem>>)
    %dma_start3A_21 = arith.constant 1 : i32
    %dma_start3A_22 = arith.constant 1 : i32
    %dma_start3A_23 = arith.constant 1 : i32
    %dma_start3A_24 = arith.constant 0 : i32
    %dma_start3A_25 = arith.constant 0 : i32
    %dma_start3A_26 = tpu.memref_slice %arg9[%dma_start3A_22, %dma_start3A_24, %dma_start3A_25] : memref<4x128x64xf32, #tpu.memory_space<vmem>> -> memref<1x128x64xf32, #tpu.memory_space<vmem>>
    %dma_start3A_27 = tpu.memref_squeeze %dma_start3A_26 : memref<1x128x64xf32, #tpu.memory_space<vmem>> -> memref<128x64xf32, #tpu.memory_space<vmem>>
    %dma_start3A_28 = arith.constant 0 : i32
    %dma_start3A_29 = tpu.memref_slice %arg7[%dma_start3A_21, %dma_start3A_28] : memref<80x128xi32, #tpu.memory_space<vmem>> -> memref<1x128xi32, #tpu.memory_space<vmem>>
    %dma_start3A_30 = tpu.memref_squeeze %dma_start3A_29 : memref<1x128xi32, #tpu.memory_space<vmem>> -> memref<128xi32, #tpu.memory_space<vmem>>
    %dma_start3A_31 = arith.constant 0 : i32
    %dma_start3A_32 = arith.constant 0 : i32
    %dma_start3A_33 = tpu.memref_slice %arg4[%dma_start3A_31, %dma_start3A_32] : memref<10000x64xf32, #tpu.memory_space<hbm>> -> memref<10000x64xf32, #tpu.memory_space<hbm>>
    %dma_start3A_34 = tpu.memref_slice %arg10[%dma_start3A_23] : memref<4x!tpu.dma_semaphore, #tpu.memory_space<semaphore_mem>> -> memref<1x!tpu.dma_semaphore, #tpu.memory_space<semaphore_mem>>
    %dma_start3A_35 = tpu.memref_squeeze %dma_start3A_34 : memref<1x!tpu.dma_semaphore, #tpu.memory_space<semaphore_mem>> -> memref<!tpu.dma_semaphore, #tpu.memory_space<semaphore_mem>>
    tpu.enqueue_indirect_dma source(%dma_start3A_33 : memref<10000x64xf32, #tpu.memory_space<hbm>>) target(%dma_start3A_27 : memref<128x64xf32, #tpu.memory_space<vmem>>) offsets(%dma_start3A_30 : memref<128xi32, #tpu.memory_space<vmem>>) semaphore(%dma_start3A_35 : memref<!tpu.dma_semaphore, #tpu.memory_space<semaphore_mem>>)
    %dma_start3A_36 = arith.constant 2 : i32
    %dma_start3A_37 = arith.constant 2 : i32
    %dma_start3A_38 = arith.constant 2 : i32
    %dma_start3A_39 = arith.constant 0 : i32
    %dma_start3A_40 = arith.constant 0 : i32
    %dma_start3A_41 = tpu.memref_slice %arg9[%dma_start3A_37, %dma_start3A_39, %dma_start3A_40] : memref<4x128x64xf32, #tpu.memory_space<vmem>> -> memref<1x128x64xf32, #tpu.memory_space<vmem>>
    %dma_start3A_42 = tpu.memref_squeeze %dma_start3A_41 : memref<1x128x64xf32, #tpu.memory_space<vmem>> -> memref<128x64xf32, #tpu.memory_space<vmem>>
    %dma_start3A_43 = arith.constant 0 : i32
    %dma_start3A_44 = tpu.memref_slice %arg7[%dma_start3A_36, %dma_start3A_43] : memref<80x128xi32, #tpu.memory_space<vmem>> -> memref<1x128xi32, #tpu.memory_space<vmem>>
    %dma_start3A_45 = tpu.memref_squeeze %dma_start3A_44 : memref<1x128xi32, #tpu.memory_space<vmem>> -> memref<128xi32, #tpu.memory_space<vmem>>
    %dma_start3A_46 = arith.constant 0 : i32
    %dma_start3A_47 = arith.constant 0 : i32
    %dma_start3A_48 = tpu.memref_slice %arg4[%dma_start3A_46, %dma_start3A_47] : memref<10000x64xf32, #tpu.memory_space<hbm>> -> memref<10000x64xf32, #tpu.memory_space<hbm>>
    %dma_start3A_49 = tpu.memref_slice %arg10[%dma_start3A_38] : memref<4x!tpu.dma_semaphore, #tpu.memory_space<semaphore_mem>> -> memref<1x!tpu.dma_semaphore, #tpu.memory_space<semaphore_mem>>
    %dma_start3A_50 = tpu.memref_squeeze %dma_start3A_49 : memref<1x!tpu.dma_semaphore, #tpu.memory_space<semaphore_mem>> -> memref<!tpu.dma_semaphore, #tpu.memory_space<semaphore_mem>>
    tpu.enqueue_indirect_dma source(%dma_start3A_48 : memref<10000x64xf32, #tpu.memory_space<hbm>>) target(%dma_start3A_42 : memref<128x64xf32, #tpu.memory_space<vmem>>) offsets(%dma_start3A_45 : memref<128xi32, #tpu.memory_space<vmem>>) semaphore(%dma_start3A_50 : memref<!tpu.dma_semaphore, #tpu.memory_space<semaphore_mem>>)
    %dma_start3A_51 = arith.constant 3 : i32
    %dma_start3A_52 = arith.constant 3 : i32
    %dma_start3A_53 = arith.constant 3 : i32
    %dma_start3A_54 = arith.constant 0 : i32
    %dma_start3A_55 = arith.constant 0 : i32
    %dma_start3A_56 = tpu.memref_slice %arg9[%dma_start3A_52, %dma_start3A_54, %dma_start3A_55] : memref<4x128x64xf32, #tpu.memory_space<vmem>> -> memref<1x128x64xf32, #tpu.memory_space<vmem>>
    %dma_start3A_57 = tpu.memref_squeeze %dma_start3A_56 : memref<1x128x64xf32, #tpu.memory_space<vmem>> -> memref<128x64xf32, #tpu.memory_space<vmem>>
    %dma_start3A_58 = arith.constant 0 : i32
    %dma_start3A_59 = tpu.memref_slice %arg7[%dma_start3A_51, %dma_start3A_58] : memref<80x128xi32, #tpu.memory_space<vmem>> -> memref<1x128xi32, #tpu.memory_space<vmem>>
    %dma_start3A_60 = tpu.memref_squeeze %dma_start3A_59 : memref<1x128xi32, #tpu.memory_space<vmem>> -> memref<128xi32, #tpu.memory_space<vmem>>
    %dma_start3A_61 = arith.constant 0 : i32
    %dma_start3A_62 = arith.constant 0 : i32
    %dma_start3A_63 = tpu.memref_slice %arg4[%dma_start3A_61, %dma_start3A_62] : memref<10000x64xf32, #tpu.memory_space<hbm>> -> memref<10000x64xf32, #tpu.memory_space<hbm>>
    %dma_start3A_64 = tpu.memref_slice %arg10[%dma_start3A_53] : memref<4x!tpu.dma_semaphore, #tpu.memory_space<semaphore_mem>> -> memref<1x!tpu.dma_semaphore, #tpu.memory_space<semaphore_mem>>
    %dma_start3A_65 = tpu.memref_squeeze %dma_start3A_64 : memref<1x!tpu.dma_semaphore, #tpu.memory_space<semaphore_mem>> -> memref<!tpu.dma_semaphore, #tpu.memory_space<semaphore_mem>>
    tpu.enqueue_indirect_dma source(%dma_start3A_63 : memref<10000x64xf32, #tpu.memory_space<hbm>>) target(%dma_start3A_57 : memref<128x64xf32, #tpu.memory_space<vmem>>) offsets(%dma_start3A_60 : memref<128xi32, #tpu.memory_space<vmem>>) semaphore(%dma_start3A_65 : memref<!tpu.dma_semaphore, #tpu.memory_space<semaphore_mem>>)
    %scan3A = arith.constant 0 : i32
    %scan3A_66 = arith.constant 0 : i32
    %scan3A_67 = arith.constant 80 : i32
    %scan3A_68 = arith.addi %scan3A_66, %scan3A_67 : i32
    %scan3A_69 = arith.constant 1 : i32
    scf.for %scan3A_76 = %scan3A_66 to %scan3A_68 step %scan3A_69  : i32 {
      %rem3A = arith.constant 4 : i32
      %rem3A_77 = arith.remsi %scan3A_76, %rem3A : i32
      %dma_wait3A = arith.constant 0 : i32
      %dma_wait3A_78 = arith.constant 0 : i32
      %dma_wait3A_79 = tpu.memref_slice %arg9[%rem3A_77, %dma_wait3A, %dma_wait3A_78] : memref<4x128x64xf32, #tpu.memory_space<vmem>> -> memref<1x128x64xf32, #tpu.memory_space<vmem>>
      %dma_wait3A_80 = tpu.memref_squeeze %dma_wait3A_79 : memref<1x128x64xf32, #tpu.memory_space<vmem>> -> memref<128x64xf32, #tpu.memory_space<vmem>>
      %dma_wait3A_81 = arith.constant 0 : i32
      %dma_wait3A_82 = tpu.memref_slice %arg7[%scan3A_76, %dma_wait3A_81] : memref<80x128xi32, #tpu.memory_space<vmem>> -> memref<1x128xi32, #tpu.memory_space<vmem>>
      %dma_wait3A_83 = tpu.memref_squeeze %dma_wait3A_82 : memref<1x128xi32, #tpu.memory_space<vmem>> -> memref<128xi32, #tpu.memory_space<vmem>>
      %dma_wait3A_84 = arith.constant 0 : i32
      %dma_wait3A_85 = arith.constant 0 : i32
      %dma_wait3A_86 = tpu.memref_slice %arg4[%dma_wait3A_84, %dma_wait3A_85] : memref<10000x64xf32, #tpu.memory_space<hbm>> -> memref<10000x64xf32, #tpu.memory_space<hbm>>
      %dma_wait3A_87 = tpu.memref_slice %arg10[%rem3A_77] : memref<4x!tpu.dma_semaphore, #tpu.memory_space<semaphore_mem>> -> memref<1x!tpu.dma_semaphore, #tpu.memory_space<semaphore_mem>>
      %dma_wait3A_88 = tpu.memref_squeeze %dma_wait3A_87 : memref<1x!tpu.dma_semaphore, #tpu.memory_space<semaphore_mem>> -> memref<!tpu.dma_semaphore, #tpu.memory_space<semaphore_mem>>
      tpu.wait_indirect_dma semaphore(%dma_wait3A_88 : memref<!tpu.dma_semaphore, #tpu.memory_space<semaphore_mem>>) src(%dma_wait3A_86 : memref<10000x64xf32, #tpu.memory_space<hbm>>) dst(%dma_wait3A_80 : memref<128x64xf32, #tpu.memory_space<vmem>>)
      "tpu.region"() ({
        %run_scoped3A = tpu.sem_alloc : memref<!tpu.dma_semaphore, #tpu.memory_space<semaphore_mem>>
        %dma_start3A_92 = arith.constant 0 : i32
        %dma_start3A_93 = arith.constant 0 : i32
        %dma_start3A_94 = tpu.memref_slice %arg9[%rem3A_77, %dma_start3A_92, %dma_start3A_93] : memref<4x128x64xf32, #tpu.memory_space<vmem>> -> memref<1x128x64xf32, #tpu.memory_space<vmem>>
        %dma_start3A_95 = tpu.memref_squeeze %dma_start3A_94 : memref<1x128x64xf32, #tpu.memory_space<vmem>> -> memref<128x64xf32, #tpu.memory_space<vmem>>
        %dma_start3A_96 = arith.constant 0 : i32
        %dma_start3A_97 = tpu.memref_slice %arg8[%scan3A_76, %dma_start3A_96] : memref<80x128xi32, #tpu.memory_space<vmem>> -> memref<1x128xi32, #tpu.memory_space<vmem>>
        %dma_start3A_98 = tpu.memref_squeeze %dma_start3A_97 : memref<1x128xi32, #tpu.memory_space<vmem>> -> memref<128xi32, #tpu.memory_space<vmem>>
        %dma_start3A_99 = arith.constant 0 : i32
        %dma_start3A_100 = arith.constant 0 : i32
        %dma_start3A_101 = tpu.memref_slice %arg11[%dma_start3A_99, %dma_start3A_100] : memref<10112x64xf32, #tpu.memory_space<vmem_shared>> -> memref<10112x64xf32, #tpu.memory_space<vmem_shared>>
        tpu.enqueue_indirect_dma source(%dma_start3A_95 : memref<128x64xf32, #tpu.memory_space<vmem>>) target(%dma_start3A_101 : memref<10112x64xf32, #tpu.memory_space<vmem_shared>>) offsets(%dma_start3A_98 : memref<128xi32, #tpu.memory_space<vmem>>) semaphore(%run_scoped3A : memref<!tpu.dma_semaphore, #tpu.memory_space<semaphore_mem>>) {add = true}
        %dma_wait3A_102 = arith.constant 0 : i32
        %dma_wait3A_103 = arith.constant 0 : i32
        %dma_wait3A_104 = tpu.memref_slice %arg9[%rem3A_77, %dma_wait3A_102, %dma_wait3A_103] : memref<4x128x64xf32, #tpu.memory_space<vmem>> -> memref<1x128x64xf32, #tpu.memory_space<vmem>>
        %dma_wait3A_105 = tpu.memref_squeeze %dma_wait3A_104 : memref<1x128x64xf32, #tpu.memory_space<vmem>> -> memref<128x64xf32, #tpu.memory_space<vmem>>
        %dma_wait3A_106 = arith.constant 0 : i32
        %dma_wait3A_107 = tpu.memref_slice %arg8[%scan3A_76, %dma_wait3A_106] : memref<80x128xi32, #tpu.memory_space<vmem>> -> memref<1x128xi32, #tpu.memory_space<vmem>>
        %dma_wait3A_108 = tpu.memref_squeeze %dma_wait3A_107 : memref<1x128xi32, #tpu.memory_space<vmem>> -> memref<128xi32, #tpu.memory_space<vmem>>
        %dma_wait3A_109 = arith.constant 0 : i32
        %dma_wait3A_110 = arith.constant 0 : i32
        %dma_wait3A_111 = tpu.memref_slice %arg11[%dma_wait3A_109, %dma_wait3A_110] : memref<10112x64xf32, #tpu.memory_space<vmem_shared>> -> memref<10112x64xf32, #tpu.memory_space<vmem_shared>>
        tpu.wait_indirect_dma semaphore(%run_scoped3A : memref<!tpu.dma_semaphore, #tpu.memory_space<semaphore_mem>>) src(%dma_wait3A_105 : memref<128x64xf32, #tpu.memory_space<vmem>>) dst(%dma_wait3A_111 : memref<10112x64xf32, #tpu.memory_space<vmem_shared>>)
        tpu.yield
      }) : () -> ()
      %add3A = arith.constant 4 : i32
      %add3A_89 = arith.addi %scan3A_76, %add3A : i32
      %lt3A = arith.constant 80 : i32
      %lt3A_90 = arith.cmpi slt, %add3A_89, %lt3A : i32
      %convert_element_type3A = arith.extui %lt3A_90 : i1 to i32
      %cond3A = arith.constant 0 : i32
      %cond3A_91 = arith.cmpi ne, %convert_element_type3A, %cond3A : i32
      scf.if %cond3A_91 {
        %add3A_92 = arith.constant 4 : i32
        %add3A_93 = arith.addi %scan3A_76, %add3A_92 : i32
        %dma_start3A_94 = arith.constant 0 : i32
        %dma_start3A_95 = arith.constant 0 : i32
        %dma_start3A_96 = tpu.memref_slice %arg9[%rem3A_77, %dma_start3A_94, %dma_start3A_95] : memref<4x128x64xf32, #tpu.memory_space<vmem>> -> memref<1x128x64xf32, #tpu.memory_space<vmem>>
        %dma_start3A_97 = tpu.memref_squeeze %dma_start3A_96 : memref<1x128x64xf32, #tpu.memory_space<vmem>> -> memref<128x64xf32, #tpu.memory_space<vmem>>
        %dma_start3A_98 = arith.constant 0 : i32
        %dma_start3A_99 = tpu.memref_slice %arg7[%add3A_93, %dma_start3A_98] : memref<80x128xi32, #tpu.memory_space<vmem>> -> memref<1x128xi32, #tpu.memory_space<vmem>>
        %dma_start3A_100 = tpu.memref_squeeze %dma_start3A_99 : memref<1x128xi32, #tpu.memory_space<vmem>> -> memref<128xi32, #tpu.memory_space<vmem>>
        %dma_start3A_101 = arith.constant 0 : i32
        %dma_start3A_102 = arith.constant 0 : i32
        %dma_start3A_103 = tpu.memref_slice %arg4[%dma_start3A_101, %dma_start3A_102] : memref<10000x64xf32, #tpu.memory_space<hbm>> -> memref<10000x64xf32, #tpu.memory_space<hbm>>
        %dma_start3A_104 = tpu.memref_slice %arg10[%rem3A_77] : memref<4x!tpu.dma_semaphore, #tpu.memory_space<semaphore_mem>> -> memref<1x!tpu.dma_semaphore, #tpu.memory_space<semaphore_mem>>
        %dma_start3A_105 = tpu.memref_squeeze %dma_start3A_104 : memref<1x!tpu.dma_semaphore, #tpu.memory_space<semaphore_mem>> -> memref<!tpu.dma_semaphore, #tpu.memory_space<semaphore_mem>>
        tpu.enqueue_indirect_dma source(%dma_start3A_103 : memref<10000x64xf32, #tpu.memory_space<hbm>>) target(%dma_start3A_97 : memref<128x64xf32, #tpu.memory_space<vmem>>) offsets(%dma_start3A_100 : memref<128xi32, #tpu.memory_space<vmem>>) semaphore(%dma_start3A_105 : memref<!tpu.dma_semaphore, #tpu.memory_space<semaphore_mem>>)
      } else {
      }
    }
    %scan3A_70 = arith.constant 80 : i32
    %barrier3A_71 = arith.constant 0 : index
    tpu.barrier barrier_id(%barrier3A_71)
    %mul3A_72 = arith.constant 632 : i32
    %mul3A_73 = arith.muli %arg1, %mul3A_72 : i32
    %mul3A_74 = arith.constant 632 : i32
    %mul3A_75 = arith.muli %arg1, %mul3A_74 : i32
    "tpu.region"() ({
      %run_scoped3A = tpu.sem_alloc : memref<!tpu.dma_semaphore, #tpu.memory_space<semaphore_mem>>
      %dma_start3A_76 = arith.constant 0 : i32
      %dma_start3A_77 = tpu.memref_slice %arg6[%mul3A_75, %dma_start3A_76] : memref<10112x64xf32, #tpu.memory_space<hbm>> -> memref<632x64xf32, #tpu.memory_space<hbm>>
      %dma_start3A_78 = arith.constant 0 : i32
      %dma_start3A_79 = tpu.memref_slice %arg11[%mul3A_73, %dma_start3A_78] : memref<10112x64xf32, #tpu.memory_space<vmem_shared>> -> memref<632x64xf32, #tpu.memory_space<vmem_shared>>
      tpu.enqueue_dma source(%dma_start3A_79 : memref<632x64xf32, #tpu.memory_space<vmem_shared>>) target(%dma_start3A_77 : memref<632x64xf32, #tpu.memory_space<hbm>>) target_semaphore(%run_scoped3A : memref<!tpu.dma_semaphore, #tpu.memory_space<semaphore_mem>>)
      %dma_wait3A = arith.constant 0 : i32
      %dma_wait3A_80 = tpu.memref_slice %arg6[%mul3A_75, %dma_wait3A] : memref<10112x64xf32, #tpu.memory_space<hbm>> -> memref<632x64xf32, #tpu.memory_space<hbm>>
      %dma_wait3A_81 = arith.constant 0 : i32
      %dma_wait3A_82 = tpu.memref_slice %arg11[%mul3A_73, %dma_wait3A_81] : memref<10112x64xf32, #tpu.memory_space<vmem_shared>> -> memref<632x64xf32, #tpu.memory_space<vmem_shared>>
      tpu.wait_dma2 semaphore(%run_scoped3A : memref<!tpu.dma_semaphore, #tpu.memory_space<semaphore_mem>>) src(%dma_wait3A_82 : memref<632x64xf32, #tpu.memory_space<vmem_shared>>) dst(%dma_wait3A_80 : memref<632x64xf32, #tpu.memory_space<hbm>>)
      tpu.yield
    }) : () -> ()
    return
  }
}

#map = affine_map<(d0, d1) -> (0, 0)>
module attributes {stable_mosaic.version = 14 : i64} {
  func.func @_sc_aggregate_body(%arg0: i32, %arg1: i32, %arg2: memref<1280x128xi32, #tpu.memory_space<hbm>>, %arg3: memref<1280x128xi32, #tpu.memory_space<hbm>>, %arg4: memref<10000x64xf32, #tpu.memory_space<hbm>>, %arg5: memref<10112x64xf32, #tpu.memory_space<hbm>>, %arg6: memref<10112x64xf32, #tpu.memory_space<hbm>>, %arg7: memref<80x128xi32, #tpu.memory_space<vmem>>, %arg8: memref<80x128xi32, #tpu.memory_space<vmem>>, %arg9: memref<4x128x64xf32, #tpu.memory_space<vmem>>, %arg10: memref<4x!tpu.dma_semaphore, #tpu.memory_space<semaphore_mem>>, %arg11: memref<10112x64xf32, #tpu.memory_space<vmem_shared>>) attributes {dimension_semantics = [#tpu.dimension_semantics<core_parallel>, #tpu.dimension_semantics<subcore_parallel>], iteration_bounds = array<i64: 1, 16>, scalar_prefetch = 0 : i64, scratch_operands = 5 : i64, tpu.core_type = #tpu.core_type<sc_vector_subcore>, window_params = [{transform_indices = #map}, {transform_indices = #map}, {transform_indices = #map}, {transform_indices = #map}, {transform_indices = #map}]} {
    %mul3A = arith.constant 80 : i32
    %mul3A_0 = arith.muli %arg1, %mul3A : i32
    "tpu.region"() ({
      %run_scoped3A = tpu.sem_alloc : memref<!tpu.dma_semaphore, #tpu.memory_space<semaphore_mem>>
      %dma_start3A_76 = arith.constant 0 : i32
      %dma_start3A_77 = tpu.memref_slice %arg2[%mul3A_0, %dma_start3A_76] : memref<1280x128xi32, #tpu.memory_space<hbm>> -> memref<80x128xi32, #tpu.memory_space<hbm>>
      %dma_start3A_78 = arith.constant 0 : i32
      %dma_start3A_79 = tpu.memref_slice %arg2[%mul3A_0, %dma_start3A_78] : memref<1280x128xi32, #tpu.memory_space<hbm>> -> memref<80x128xi32, #tpu.memory_space<hbm>>
      tpu.enqueue_dma source(%dma_start3A_79 : memref<80x128xi32, #tpu.memory_space<hbm>>) target(%arg7 : memref<80x128xi32, #tpu.memory_space<vmem>>) target_semaphore(%run_scoped3A : memref<!tpu.dma_semaphore, #tpu.memory_space<semaphore_mem>>)
      %dma_wait3A = arith.constant 0 : i32
      %dma_wait3A_80 = tpu.memref_slice %arg2[%mul3A_0, %dma_wait3A] : memref<1280x128xi32, #tpu.memory_space<hbm>> -> memref<80x128xi32, #tpu.memory_space<hbm>>
      %dma_wait3A_81 = arith.constant 0 : i32
      %dma_wait3A_82 = tpu.memref_slice %arg2[%mul3A_0, %dma_wait3A_81] : memref<1280x128xi32, #tpu.memory_space<hbm>> -> memref<80x128xi32, #tpu.memory_space<hbm>>
      tpu.wait_dma2 semaphore(%run_scoped3A : memref<!tpu.dma_semaphore, #tpu.memory_space<semaphore_mem>>) src(%dma_wait3A_82 : memref<80x128xi32, #tpu.memory_space<hbm>>) dst(%arg7 : memref<80x128xi32, #tpu.memory_space<vmem>>)
      tpu.yield
    }) : () -> ()
    %mul3A_1 = arith.constant 80 : i32
    %mul3A_2 = arith.muli %arg1, %mul3A_1 : i32
    "tpu.region"() ({
      %run_scoped3A = tpu.sem_alloc : memref<!tpu.dma_semaphore, #tpu.memory_space<semaphore_mem>>
      %dma_start3A_76 = arith.constant 0 : i32
      %dma_start3A_77 = tpu.memref_slice %arg3[%mul3A_2, %dma_start3A_76] : memref<1280x128xi32, #tpu.memory_space<hbm>> -> memref<80x128xi32, #tpu.memory_space<hbm>>
      %dma_start3A_78 = arith.constant 0 : i32
      %dma_start3A_79 = tpu.memref_slice %arg3[%mul3A_2, %dma_start3A_78] : memref<1280x128xi32, #tpu.memory_space<hbm>> -> memref<80x128xi32, #tpu.memory_space<hbm>>
      tpu.enqueue_dma source(%dma_start3A_79 : memref<80x128xi32, #tpu.memory_space<hbm>>) target(%arg8 : memref<80x128xi32, #tpu.memory_space<vmem>>) target_semaphore(%run_scoped3A : memref<!tpu.dma_semaphore, #tpu.memory_space<semaphore_mem>>)
      %dma_wait3A = arith.constant 0 : i32
      %dma_wait3A_80 = tpu.memref_slice %arg3[%mul3A_2, %dma_wait3A] : memref<1280x128xi32, #tpu.memory_space<hbm>> -> memref<80x128xi32, #tpu.memory_space<hbm>>
      %dma_wait3A_81 = arith.constant 0 : i32
      %dma_wait3A_82 = tpu.memref_slice %arg3[%mul3A_2, %dma_wait3A_81] : memref<1280x128xi32, #tpu.memory_space<hbm>> -> memref<80x128xi32, #tpu.memory_space<hbm>>
      tpu.wait_dma2 semaphore(%run_scoped3A : memref<!tpu.dma_semaphore, #tpu.memory_space<semaphore_mem>>) src(%dma_wait3A_82 : memref<80x128xi32, #tpu.memory_space<hbm>>) dst(%arg8 : memref<80x128xi32, #tpu.memory_space<vmem>>)
      tpu.yield
    }) : () -> ()
    %mul3A_3 = arith.constant 632 : i32
    %mul3A_4 = arith.muli %arg1, %mul3A_3 : i32
    %mul3A_5 = arith.constant 632 : i32
    %mul3A_6 = arith.muli %arg1, %mul3A_5 : i32
    "tpu.region"() ({
      %run_scoped3A = tpu.sem_alloc : memref<!tpu.dma_semaphore, #tpu.memory_space<semaphore_mem>>
      %dma_start3A_76 = arith.constant 0 : i32
      %dma_start3A_77 = tpu.memref_slice %arg11[%mul3A_6, %dma_start3A_76] : memref<10112x64xf32, #tpu.memory_space<vmem_shared>> -> memref<632x64xf32, #tpu.memory_space<vmem_shared>>
      %dma_start3A_78 = arith.constant 0 : i32
      %dma_start3A_79 = tpu.memref_slice %arg5[%mul3A_4, %dma_start3A_78] : memref<10112x64xf32, #tpu.memory_space<hbm>> -> memref<632x64xf32, #tpu.memory_space<hbm>>
      tpu.enqueue_dma source(%dma_start3A_79 : memref<632x64xf32, #tpu.memory_space<hbm>>) target(%dma_start3A_77 : memref<632x64xf32, #tpu.memory_space<vmem_shared>>) target_semaphore(%run_scoped3A : memref<!tpu.dma_semaphore, #tpu.memory_space<semaphore_mem>>)
      %dma_wait3A = arith.constant 0 : i32
      %dma_wait3A_80 = tpu.memref_slice %arg11[%mul3A_6, %dma_wait3A] : memref<10112x64xf32, #tpu.memory_space<vmem_shared>> -> memref<632x64xf32, #tpu.memory_space<vmem_shared>>
      %dma_wait3A_81 = arith.constant 0 : i32
      %dma_wait3A_82 = tpu.memref_slice %arg5[%mul3A_4, %dma_wait3A_81] : memref<10112x64xf32, #tpu.memory_space<hbm>> -> memref<632x64xf32, #tpu.memory_space<hbm>>
      tpu.wait_dma2 semaphore(%run_scoped3A : memref<!tpu.dma_semaphore, #tpu.memory_space<semaphore_mem>>) src(%dma_wait3A_82 : memref<632x64xf32, #tpu.memory_space<hbm>>) dst(%dma_wait3A_80 : memref<632x64xf32, #tpu.memory_space<vmem_shared>>)
      tpu.yield
    }) : () -> ()
    %barrier3A = arith.constant 0 : index
    tpu.barrier barrier_id(%barrier3A)
    %dma_start3A = arith.constant 0 : i32
    %dma_start3A_7 = arith.constant 0 : i32
    %dma_start3A_8 = arith.constant 0 : i32
    %dma_start3A_9 = arith.constant 0 : i32
    %dma_start3A_10 = arith.constant 0 : i32
    %dma_start3A_11 = tpu.memref_slice %arg9[%dma_start3A_7, %dma_start3A_9, %dma_start3A_10] : memref<4x128x64xf32, #tpu.memory_space<vmem>> -> memref<1x128x64xf32, #tpu.memory_space<vmem>>
    %dma_start3A_12 = tpu.memref_squeeze %dma_start3A_11 : memref<1x128x64xf32, #tpu.memory_space<vmem>> -> memref<128x64xf32, #tpu.memory_space<vmem>>
    %dma_start3A_13 = arith.constant 0 : i32
    %dma_start3A_14 = tpu.memref_slice %arg7[%dma_start3A, %dma_start3A_13] : memref<80x128xi32, #tpu.memory_space<vmem>> -> memref<1x128xi32, #tpu.memory_space<vmem>>
    %dma_start3A_15 = tpu.memref_squeeze %dma_start3A_14 : memref<1x128xi32, #tpu.memory_space<vmem>> -> memref<128xi32, #tpu.memory_space<vmem>>
    %dma_start3A_16 = arith.constant 0 : i32
    %dma_start3A_17 = arith.constant 0 : i32
    %dma_start3A_18 = tpu.memref_slice %arg4[%dma_start3A_16, %dma_start3A_17] : memref<10000x64xf32, #tpu.memory_space<hbm>> -> memref<10000x64xf32, #tpu.memory_space<hbm>>
    %dma_start3A_19 = tpu.memref_slice %arg10[%dma_start3A_8] : memref<4x!tpu.dma_semaphore, #tpu.memory_space<semaphore_mem>> -> memref<1x!tpu.dma_semaphore, #tpu.memory_space<semaphore_mem>>
    %dma_start3A_20 = tpu.memref_squeeze %dma_start3A_19 : memref<1x!tpu.dma_semaphore, #tpu.memory_space<semaphore_mem>> -> memref<!tpu.dma_semaphore, #tpu.memory_space<semaphore_mem>>
    tpu.enqueue_indirect_dma source(%dma_start3A_18 : memref<10000x64xf32, #tpu.memory_space<hbm>>) target(%dma_start3A_12 : memref<128x64xf32, #tpu.memory_space<vmem>>) offsets(%dma_start3A_15 : memref<128xi32, #tpu.memory_space<vmem>>) semaphore(%dma_start3A_20 : memref<!tpu.dma_semaphore, #tpu.memory_space<semaphore_mem>>)
    %dma_start3A_21 = arith.constant 1 : i32
    %dma_start3A_22 = arith.constant 1 : i32
    %dma_start3A_23 = arith.constant 1 : i32
    %dma_start3A_24 = arith.constant 0 : i32
    %dma_start3A_25 = arith.constant 0 : i32
    %dma_start3A_26 = tpu.memref_slice %arg9[%dma_start3A_22, %dma_start3A_24, %dma_start3A_25] : memref<4x128x64xf32, #tpu.memory_space<vmem>> -> memref<1x128x64xf32, #tpu.memory_space<vmem>>
    %dma_start3A_27 = tpu.memref_squeeze %dma_start3A_26 : memref<1x128x64xf32, #tpu.memory_space<vmem>> -> memref<128x64xf32, #tpu.memory_space<vmem>>
    %dma_start3A_28 = arith.constant 0 : i32
    %dma_start3A_29 = tpu.memref_slice %arg7[%dma_start3A_21, %dma_start3A_28] : memref<80x128xi32, #tpu.memory_space<vmem>> -> memref<1x128xi32, #tpu.memory_space<vmem>>
    %dma_start3A_30 = tpu.memref_squeeze %dma_start3A_29 : memref<1x128xi32, #tpu.memory_space<vmem>> -> memref<128xi32, #tpu.memory_space<vmem>>
    %dma_start3A_31 = arith.constant 0 : i32
    %dma_start3A_32 = arith.constant 0 : i32
    %dma_start3A_33 = tpu.memref_slice %arg4[%dma_start3A_31, %dma_start3A_32] : memref<10000x64xf32, #tpu.memory_space<hbm>> -> memref<10000x64xf32, #tpu.memory_space<hbm>>
    %dma_start3A_34 = tpu.memref_slice %arg10[%dma_start3A_23] : memref<4x!tpu.dma_semaphore, #tpu.memory_space<semaphore_mem>> -> memref<1x!tpu.dma_semaphore, #tpu.memory_space<semaphore_mem>>
    %dma_start3A_35 = tpu.memref_squeeze %dma_start3A_34 : memref<1x!tpu.dma_semaphore, #tpu.memory_space<semaphore_mem>> -> memref<!tpu.dma_semaphore, #tpu.memory_space<semaphore_mem>>
    tpu.enqueue_indirect_dma source(%dma_start3A_33 : memref<10000x64xf32, #tpu.memory_space<hbm>>) target(%dma_start3A_27 : memref<128x64xf32, #tpu.memory_space<vmem>>) offsets(%dma_start3A_30 : memref<128xi32, #tpu.memory_space<vmem>>) semaphore(%dma_start3A_35 : memref<!tpu.dma_semaphore, #tpu.memory_space<semaphore_mem>>)
    %dma_start3A_36 = arith.constant 2 : i32
    %dma_start3A_37 = arith.constant 2 : i32
    %dma_start3A_38 = arith.constant 2 : i32
    %dma_start3A_39 = arith.constant 0 : i32
    %dma_start3A_40 = arith.constant 0 : i32
    %dma_start3A_41 = tpu.memref_slice %arg9[%dma_start3A_37, %dma_start3A_39, %dma_start3A_40] : memref<4x128x64xf32, #tpu.memory_space<vmem>> -> memref<1x128x64xf32, #tpu.memory_space<vmem>>
    %dma_start3A_42 = tpu.memref_squeeze %dma_start3A_41 : memref<1x128x64xf32, #tpu.memory_space<vmem>> -> memref<128x64xf32, #tpu.memory_space<vmem>>
    %dma_start3A_43 = arith.constant 0 : i32
    %dma_start3A_44 = tpu.memref_slice %arg7[%dma_start3A_36, %dma_start3A_43] : memref<80x128xi32, #tpu.memory_space<vmem>> -> memref<1x128xi32, #tpu.memory_space<vmem>>
    %dma_start3A_45 = tpu.memref_squeeze %dma_start3A_44 : memref<1x128xi32, #tpu.memory_space<vmem>> -> memref<128xi32, #tpu.memory_space<vmem>>
    %dma_start3A_46 = arith.constant 0 : i32
    %dma_start3A_47 = arith.constant 0 : i32
    %dma_start3A_48 = tpu.memref_slice %arg4[%dma_start3A_46, %dma_start3A_47] : memref<10000x64xf32, #tpu.memory_space<hbm>> -> memref<10000x64xf32, #tpu.memory_space<hbm>>
    %dma_start3A_49 = tpu.memref_slice %arg10[%dma_start3A_38] : memref<4x!tpu.dma_semaphore, #tpu.memory_space<semaphore_mem>> -> memref<1x!tpu.dma_semaphore, #tpu.memory_space<semaphore_mem>>
    %dma_start3A_50 = tpu.memref_squeeze %dma_start3A_49 : memref<1x!tpu.dma_semaphore, #tpu.memory_space<semaphore_mem>> -> memref<!tpu.dma_semaphore, #tpu.memory_space<semaphore_mem>>
    tpu.enqueue_indirect_dma source(%dma_start3A_48 : memref<10000x64xf32, #tpu.memory_space<hbm>>) target(%dma_start3A_42 : memref<128x64xf32, #tpu.memory_space<vmem>>) offsets(%dma_start3A_45 : memref<128xi32, #tpu.memory_space<vmem>>) semaphore(%dma_start3A_50 : memref<!tpu.dma_semaphore, #tpu.memory_space<semaphore_mem>>)
    %dma_start3A_51 = arith.constant 3 : i32
    %dma_start3A_52 = arith.constant 3 : i32
    %dma_start3A_53 = arith.constant 3 : i32
    %dma_start3A_54 = arith.constant 0 : i32
    %dma_start3A_55 = arith.constant 0 : i32
    %dma_start3A_56 = tpu.memref_slice %arg9[%dma_start3A_52, %dma_start3A_54, %dma_start3A_55] : memref<4x128x64xf32, #tpu.memory_space<vmem>> -> memref<1x128x64xf32, #tpu.memory_space<vmem>>
    %dma_start3A_57 = tpu.memref_squeeze %dma_start3A_56 : memref<1x128x64xf32, #tpu.memory_space<vmem>> -> memref<128x64xf32, #tpu.memory_space<vmem>>
    %dma_start3A_58 = arith.constant 0 : i32
    %dma_start3A_59 = tpu.memref_slice %arg7[%dma_start3A_51, %dma_start3A_58] : memref<80x128xi32, #tpu.memory_space<vmem>> -> memref<1x128xi32, #tpu.memory_space<vmem>>
    %dma_start3A_60 = tpu.memref_squeeze %dma_start3A_59 : memref<1x128xi32, #tpu.memory_space<vmem>> -> memref<128xi32, #tpu.memory_space<vmem>>
    %dma_start3A_61 = arith.constant 0 : i32
    %dma_start3A_62 = arith.constant 0 : i32
    %dma_start3A_63 = tpu.memref_slice %arg4[%dma_start3A_61, %dma_start3A_62] : memref<10000x64xf32, #tpu.memory_space<hbm>> -> memref<10000x64xf32, #tpu.memory_space<hbm>>
    %dma_start3A_64 = tpu.memref_slice %arg10[%dma_start3A_53] : memref<4x!tpu.dma_semaphore, #tpu.memory_space<semaphore_mem>> -> memref<1x!tpu.dma_semaphore, #tpu.memory_space<semaphore_mem>>
    %dma_start3A_65 = tpu.memref_squeeze %dma_start3A_64 : memref<1x!tpu.dma_semaphore, #tpu.memory_space<semaphore_mem>> -> memref<!tpu.dma_semaphore, #tpu.memory_space<semaphore_mem>>
    tpu.enqueue_indirect_dma source(%dma_start3A_63 : memref<10000x64xf32, #tpu.memory_space<hbm>>) target(%dma_start3A_57 : memref<128x64xf32, #tpu.memory_space<vmem>>) offsets(%dma_start3A_60 : memref<128xi32, #tpu.memory_space<vmem>>) semaphore(%dma_start3A_65 : memref<!tpu.dma_semaphore, #tpu.memory_space<semaphore_mem>>)
    %scan3A = arith.constant 0 : i32
    %scan3A_66 = arith.constant 0 : i32
    %scan3A_67 = arith.constant 80 : i32
    %scan3A_68 = arith.addi %scan3A_66, %scan3A_67 : i32
    %scan3A_69 = arith.constant 1 : i32
    scf.for %scan3A_76 = %scan3A_66 to %scan3A_68 step %scan3A_69  : i32 {
      %rem3A = arith.constant 4 : i32
      %rem3A_77 = arith.remsi %scan3A_76, %rem3A : i32
      %dma_wait3A = arith.constant 0 : i32
      %dma_wait3A_78 = arith.constant 0 : i32
      %dma_wait3A_79 = tpu.memref_slice %arg9[%rem3A_77, %dma_wait3A, %dma_wait3A_78] : memref<4x128x64xf32, #tpu.memory_space<vmem>> -> memref<1x128x64xf32, #tpu.memory_space<vmem>>
      %dma_wait3A_80 = tpu.memref_squeeze %dma_wait3A_79 : memref<1x128x64xf32, #tpu.memory_space<vmem>> -> memref<128x64xf32, #tpu.memory_space<vmem>>
      %dma_wait3A_81 = arith.constant 0 : i32
      %dma_wait3A_82 = tpu.memref_slice %arg7[%scan3A_76, %dma_wait3A_81] : memref<80x128xi32, #tpu.memory_space<vmem>> -> memref<1x128xi32, #tpu.memory_space<vmem>>
      %dma_wait3A_83 = tpu.memref_squeeze %dma_wait3A_82 : memref<1x128xi32, #tpu.memory_space<vmem>> -> memref<128xi32, #tpu.memory_space<vmem>>
      %dma_wait3A_84 = arith.constant 0 : i32
      %dma_wait3A_85 = arith.constant 0 : i32
      %dma_wait3A_86 = tpu.memref_slice %arg4[%dma_wait3A_84, %dma_wait3A_85] : memref<10000x64xf32, #tpu.memory_space<hbm>> -> memref<10000x64xf32, #tpu.memory_space<hbm>>
      %dma_wait3A_87 = tpu.memref_slice %arg10[%rem3A_77] : memref<4x!tpu.dma_semaphore, #tpu.memory_space<semaphore_mem>> -> memref<1x!tpu.dma_semaphore, #tpu.memory_space<semaphore_mem>>
      %dma_wait3A_88 = tpu.memref_squeeze %dma_wait3A_87 : memref<1x!tpu.dma_semaphore, #tpu.memory_space<semaphore_mem>> -> memref<!tpu.dma_semaphore, #tpu.memory_space<semaphore_mem>>
      tpu.wait_indirect_dma semaphore(%dma_wait3A_88 : memref<!tpu.dma_semaphore, #tpu.memory_space<semaphore_mem>>) src(%dma_wait3A_86 : memref<10000x64xf32, #tpu.memory_space<hbm>>) dst(%dma_wait3A_80 : memref<128x64xf32, #tpu.memory_space<vmem>>)
      "tpu.region"() ({
        %run_scoped3A = tpu.sem_alloc : memref<!tpu.dma_semaphore, #tpu.memory_space<semaphore_mem>>
        %dma_start3A_92 = arith.constant 0 : i32
        %dma_start3A_93 = arith.constant 0 : i32
        %dma_start3A_94 = tpu.memref_slice %arg9[%rem3A_77, %dma_start3A_92, %dma_start3A_93] : memref<4x128x64xf32, #tpu.memory_space<vmem>> -> memref<1x128x64xf32, #tpu.memory_space<vmem>>
        %dma_start3A_95 = tpu.memref_squeeze %dma_start3A_94 : memref<1x128x64xf32, #tpu.memory_space<vmem>> -> memref<128x64xf32, #tpu.memory_space<vmem>>
        %dma_start3A_96 = arith.constant 0 : i32
        %dma_start3A_97 = tpu.memref_slice %arg8[%scan3A_76, %dma_start3A_96] : memref<80x128xi32, #tpu.memory_space<vmem>> -> memref<1x128xi32, #tpu.memory_space<vmem>>
        %dma_start3A_98 = tpu.memref_squeeze %dma_start3A_97 : memref<1x128xi32, #tpu.memory_space<vmem>> -> memref<128xi32, #tpu.memory_space<vmem>>
        %dma_start3A_99 = arith.constant 0 : i32
        %dma_start3A_100 = arith.constant 0 : i32
        %dma_start3A_101 = tpu.memref_slice %arg11[%dma_start3A_99, %dma_start3A_100] : memref<10112x64xf32, #tpu.memory_space<vmem_shared>> -> memref<10112x64xf32, #tpu.memory_space<vmem_shared>>
        tpu.enqueue_indirect_dma source(%dma_start3A_95 : memref<128x64xf32, #tpu.memory_space<vmem>>) target(%dma_start3A_101 : memref<10112x64xf32, #tpu.memory_space<vmem_shared>>) offsets(%dma_start3A_98 : memref<128xi32, #tpu.memory_space<vmem>>) semaphore(%run_scoped3A : memref<!tpu.dma_semaphore, #tpu.memory_space<semaphore_mem>>) {add = true}
        %dma_wait3A_102 = arith.constant 0 : i32
        %dma_wait3A_103 = arith.constant 0 : i32
        %dma_wait3A_104 = tpu.memref_slice %arg9[%rem3A_77, %dma_wait3A_102, %dma_wait3A_103] : memref<4x128x64xf32, #tpu.memory_space<vmem>> -> memref<1x128x64xf32, #tpu.memory_space<vmem>>
        %dma_wait3A_105 = tpu.memref_squeeze %dma_wait3A_104 : memref<1x128x64xf32, #tpu.memory_space<vmem>> -> memref<128x64xf32, #tpu.memory_space<vmem>>
        %dma_wait3A_106 = arith.constant 0 : i32
        %dma_wait3A_107 = tpu.memref_slice %arg8[%scan3A_76, %dma_wait3A_106] : memref<80x128xi32, #tpu.memory_space<vmem>> -> memref<1x128xi32, #tpu.memory_space<vmem>>
        %dma_wait3A_108 = tpu.memref_squeeze %dma_wait3A_107 : memref<1x128xi32, #tpu.memory_space<vmem>> -> memref<128xi32, #tpu.memory_space<vmem>>
        %dma_wait3A_109 = arith.constant 0 : i32
        %dma_wait3A_110 = arith.constant 0 : i32
        %dma_wait3A_111 = tpu.memref_slice %arg11[%dma_wait3A_109, %dma_wait3A_110] : memref<10112x64xf32, #tpu.memory_space<vmem_shared>> -> memref<10112x64xf32, #tpu.memory_space<vmem_shared>>
        tpu.wait_indirect_dma semaphore(%run_scoped3A : memref<!tpu.dma_semaphore, #tpu.memory_space<semaphore_mem>>) src(%dma_wait3A_105 : memref<128x64xf32, #tpu.memory_space<vmem>>) dst(%dma_wait3A_111 : memref<10112x64xf32, #tpu.memory_space<vmem_shared>>)
        tpu.yield
      }) : () -> ()
      %add3A = arith.constant 4 : i32
      %add3A_89 = arith.addi %scan3A_76, %add3A : i32
      %lt3A = arith.constant 80 : i32
      %lt3A_90 = arith.cmpi slt, %add3A_89, %lt3A : i32
      %convert_element_type3A = arith.extui %lt3A_90 : i1 to i32
      %cond3A = arith.constant 0 : i32
      %cond3A_91 = arith.cmpi ne, %convert_element_type3A, %cond3A : i32
      scf.if %cond3A_91 {
        %add3A_92 = arith.constant 4 : i32
        %add3A_93 = arith.addi %scan3A_76, %add3A_92 : i32
        %dma_start3A_94 = arith.constant 0 : i32
        %dma_start3A_95 = arith.constant 0 : i32
        %dma_start3A_96 = tpu.memref_slice %arg9[%rem3A_77, %dma_start3A_94, %dma_start3A_95] : memref<4x128x64xf32, #tpu.memory_space<vmem>> -> memref<1x128x64xf32, #tpu.memory_space<vmem>>
        %dma_start3A_97 = tpu.memref_squeeze %dma_start3A_96 : memref<1x128x64xf32, #tpu.memory_space<vmem>> -> memref<128x64xf32, #tpu.memory_space<vmem>>
        %dma_start3A_98 = arith.constant 0 : i32
        %dma_start3A_99 = tpu.memref_slice %arg7[%add3A_93, %dma_start3A_98] : memref<80x128xi32, #tpu.memory_space<vmem>> -> memref<1x128xi32, #tpu.memory_space<vmem>>
        %dma_start3A_100 = tpu.memref_squeeze %dma_start3A_99 : memref<1x128xi32, #tpu.memory_space<vmem>> -> memref<128xi32, #tpu.memory_space<vmem>>
        %dma_start3A_101 = arith.constant 0 : i32
        %dma_start3A_102 = arith.constant 0 : i32
        %dma_start3A_103 = tpu.memref_slice %arg4[%dma_start3A_101, %dma_start3A_102] : memref<10000x64xf32, #tpu.memory_space<hbm>> -> memref<10000x64xf32, #tpu.memory_space<hbm>>
        %dma_start3A_104 = tpu.memref_slice %arg10[%rem3A_77] : memref<4x!tpu.dma_semaphore, #tpu.memory_space<semaphore_mem>> -> memref<1x!tpu.dma_semaphore, #tpu.memory_space<semaphore_mem>>
        %dma_start3A_105 = tpu.memref_squeeze %dma_start3A_104 : memref<1x!tpu.dma_semaphore, #tpu.memory_space<semaphore_mem>> -> memref<!tpu.dma_semaphore, #tpu.memory_space<semaphore_mem>>
        tpu.enqueue_indirect_dma source(%dma_start3A_103 : memref<10000x64xf32, #tpu.memory_space<hbm>>) target(%dma_start3A_97 : memref<128x64xf32, #tpu.memory_space<vmem>>) offsets(%dma_start3A_100 : memref<128xi32, #tpu.memory_space<vmem>>) semaphore(%dma_start3A_105 : memref<!tpu.dma_semaphore, #tpu.memory_space<semaphore_mem>>)
      } else {
      }
    }
    %scan3A_70 = arith.constant 80 : i32
    %barrier3A_71 = arith.constant 0 : index
    tpu.barrier barrier_id(%barrier3A_71)
    %mul3A_72 = arith.constant 632 : i32
    %mul3A_73 = arith.muli %arg1, %mul3A_72 : i32
    %mul3A_74 = arith.constant 632 : i32
    %mul3A_75 = arith.muli %arg1, %mul3A_74 : i32
    "tpu.region"() ({
      %run_scoped3A = tpu.sem_alloc : memref<!tpu.dma_semaphore, #tpu.memory_space<semaphore_mem>>
      %dma_start3A_76 = arith.constant 0 : i32
      %dma_start3A_77 = tpu.memref_slice %arg6[%mul3A_75, %dma_start3A_76] : memref<10112x64xf32, #tpu.memory_space<hbm>> -> memref<632x64xf32, #tpu.memory_space<hbm>>
      %dma_start3A_78 = arith.constant 0 : i32
      %dma_start3A_79 = tpu.memref_slice %arg11[%mul3A_73, %dma_start3A_78] : memref<10112x64xf32, #tpu.memory_space<vmem_shared>> -> memref<632x64xf32, #tpu.memory_space<vmem_shared>>
      tpu.enqueue_dma source(%dma_start3A_79 : memref<632x64xf32, #tpu.memory_space<vmem_shared>>) target(%dma_start3A_77 : memref<632x64xf32, #tpu.memory_space<hbm>>) target_semaphore(%run_scoped3A : memref<!tpu.dma_semaphore, #tpu.memory_space<semaphore_mem>>)
      %dma_wait3A = arith.constant 0 : i32
      %dma_wait3A_80 = tpu.memref_slice %arg6[%mul3A_75, %dma_wait3A] : memref<10112x64xf32, #tpu.memory_space<hbm>> -> memref<632x64xf32, #tpu.memory_space<hbm>>
      %dma_wait3A_81 = arith.constant 0 : i32
      %dma_wait3A_82 = tpu.memref_slice %arg11[%mul3A_73, %dma_wait3A_81] : memref<10112x64xf32, #tpu.memory_space<vmem_shared>> -> memref<632x64xf32, #tpu.memory_space<vmem_shared>>
      tpu.wait_dma2 semaphore(%run_scoped3A : memref<!tpu.dma_semaphore, #tpu.memory_space<semaphore_mem>>) src(%dma_wait3A_82 : memref<632x64xf32, #tpu.memory_space<vmem_shared>>) dst(%dma_wait3A_80 : memref<632x64xf32, #tpu.memory_space<hbm>>)
      tpu.yield
    }) : () -> ()
    return
  }
}

module attributes {stable_mosaic.version = 14 : i64} {
  func.func @_tc_scale1_body(%arg0: i32, %arg1: memref<2x2000x16xf32, #tpu.memory_space<vmem>>, %arg2: memref<2000x128xf32, #tpu.memory_space<vmem>>, %arg3: memref<128x64xf32, #tpu.memory_space<vmem>>, %arg4: memref<2000x64xf32, #tpu.memory_space<vmem>>, %arg5: memref<2000x1xf32, #tpu.memory_space<vmem>>) attributes {dimension_semantics = [#tpu.dimension_semantics<arbitrary>], iteration_bounds = array<i64: 5>, scalar_prefetch = 0 : i64, scratch_operands = 0 : i64, tpu.core_type = #tpu.core_type<tc>, window_params = [{transform_indices = @transform_0, window_bounds = array<i64: 2, 2000, 16>}, {transform_indices = @transform_1, window_bounds = array<i64: 2000, 128>}, {pipeline_mode = #tpu.pipeline_mode<synchronous>, transform_indices = @transform_2, window_bounds = array<i64: 128, 64>}, {transform_indices = @transform_3, window_bounds = array<i64: 2000, 64>}, {transform_indices = @transform_4, window_bounds = array<i64: 2000, 1>}]} {
    %get3A = arith.constant 0 : index
    %get3A_0 = arith.constant 0 : index
    %get3A_1 = arith.constant 0 : index
    %get3A_2 = vector.load %arg1[%get3A, %get3A_0, %get3A_1] : memref<2x2000x16xf32, #tpu.memory_space<vmem>>, vector<1x2000x1xf32>
    %get3A_3 = vector.shape_cast %get3A_2 : vector<1x2000x1xf32> to vector<2000x1xf32>
    %get3A_4 = arith.constant 1 : index
    %get3A_5 = arith.constant 0 : index
    %get3A_6 = arith.constant 0 : index
    %get3A_7 = vector.load %arg1[%get3A_4, %get3A_5, %get3A_6] : memref<2x2000x16xf32, #tpu.memory_space<vmem>>, vector<1x2000x1xf32>
    %get3A_8 = vector.shape_cast %get3A_7 : vector<1x2000x1xf32> to vector<2000x1xf32>
    %add3A = arith.addf %get3A_3, %get3A_8 : vector<2000x1xf32>
    %add3A_9 = arith.constant 1.000000e+00 : f32
    %add3A_10 = vector.broadcast %add3A_9 : f32 to vector<2000x1xf32>
    %add3A_11 = arith.addf %add3A, %add3A_10 : vector<2000x1xf32>
    %rsqrt3A = math.rsqrt %add3A_11 : vector<2000x1xf32>
    %get3A_12 = arith.constant 0 : index
    %get3A_13 = arith.constant 0 : index
    %get3A_14 = vector.load %arg2[%get3A_12, %get3A_13] : memref<2000x128xf32, #tpu.memory_space<vmem>>, vector<2000x128xf32>
    %get3A_15 = arith.constant 0 : index
    %get3A_16 = arith.constant 0 : index
    %get3A_17 = vector.load %arg3[%get3A_15, %get3A_16] : memref<128x64xf32, #tpu.memory_space<vmem>>, vector<128x64xf32>
    %dot_general3A = arith.constant dense<0.000000e+00> : vector<2000x64xf32>
    %dot_general3A_18 = tpu.matmul %get3A_14, %get3A_17, %dot_general3A {dimension_numbers = #tpu.dot_dimension_numbers<[1], [0], [0], [1], [0, 0, 1, 1], [], []>, transpose_lhs_hint = false} : vector<2000x128xf32>, vector<128x64xf32>, vector<2000x64xf32> -> vector<2000x64xf32>
    %mul3A = vector.broadcast %rsqrt3A : vector<2000x1xf32> to vector<2000x64xf32>
    %mul3A_19 = arith.mulf %dot_general3A_18, %mul3A : vector<2000x64xf32>
    %swap3A = arith.constant 0 : index
    %swap3A_20 = arith.constant 0 : index
    %swap3A_21 = vector.load %arg4[%swap3A, %swap3A_20] : memref<2000x64xf32, #tpu.memory_space<vmem>>, vector<2000x64xf32>
    tpu.vector_store %arg4[%swap3A, %swap3A_20], %mul3A_19 {strides = array<i32>} : memref<2000x64xf32, #tpu.memory_space<vmem>>, vector<2000x64xf32>,
    %swap3A_22 = arith.constant 0 : index
    %swap3A_23 = arith.constant 0 : index
    %swap3A_24 = vector.load %arg5[%swap3A_22, %swap3A_23] : memref<2000x1xf32, #tpu.memory_space<vmem>>, vector<2000x1xf32>
    tpu.vector_store %arg5[%swap3A_22, %swap3A_23], %rsqrt3A {strides = array<i32>} : memref<2000x1xf32, #tpu.memory_space<vmem>>, vector<2000x1xf32>,
    return
  }
  func.func @transform_0(%arg0: i32) -> (i32, i32, i32) {
    %c0_i32 = arith.constant 0 : i32
    %c0_i32_0 = arith.constant 0 : i32
    %c0_i32_1 = arith.constant 0 : i32
    return %c0_i32, %arg0, %c0_i32_0 : i32, i32, i32
  }
  func.func @transform_1(%arg0: i32) -> (i32, i32) {
    %c0_i32 = arith.constant 0 : i32
    %c0_i32_0 = arith.constant 0 : i32
    return %arg0, %c0_i32 : i32, i32
  }
  func.func @transform_2(%arg0: i32) -> (i32, i32) {
    %c0_i32 = arith.constant 0 : i32
    %c0_i32_0 = arith.constant 0 : i32
    %c0_i32_1 = arith.constant 0 : i32
    return %c0_i32, %c0_i32_0 : i32, i32
  }
  func.func @transform_3(%arg0: i32) -> (i32, i32) {
    %c0_i32 = arith.constant 0 : i32
    %c0_i32_0 = arith.constant 0 : i32
    return %arg0, %c0_i32 : i32, i32
  }
  func.func @transform_4(%arg0: i32) -> (i32, i32) {
    %c0_i32 = arith.constant 0 : i32
    %c0_i32_0 = arith.constant 0 : i32
    return %arg0, %c0_i32 : i32, i32
  }
}

module attributes {stable_mosaic.version = 14 : i64} {
  func.func @_tc_combine1_body(%arg0: i32, %arg1: memref<2000x64xf32, #tpu.memory_space<vmem>>, %arg2: memref<2000x64xf32, #tpu.memory_space<vmem>>, %arg3: memref<2000x1xf32, #tpu.memory_space<vmem>>, %arg4: memref<64x64xf32, #tpu.memory_space<vmem>>, %arg5: memref<1x64xf32, #tpu.memory_space<vmem>>, %arg6: memref<2000x64xf32, #tpu.memory_space<vmem>>) attributes {dimension_semantics = [#tpu.dimension_semantics<arbitrary>], iteration_bounds = array<i64: 5>, scalar_prefetch = 0 : i64, scratch_operands = 0 : i64, tpu.core_type = #tpu.core_type<tc>, window_params = [{transform_indices = @transform_0, window_bounds = array<i64: 2000, 64>}, {transform_indices = @transform_1, window_bounds = array<i64: 2000, 64>}, {transform_indices = @transform_2, window_bounds = array<i64: 2000, 1>}, {pipeline_mode = #tpu.pipeline_mode<synchronous>, transform_indices = @transform_3, window_bounds = array<i64: 64, 64>}, {pipeline_mode = #tpu.pipeline_mode<synchronous>, transform_indices = @transform_4, window_bounds = array<i64: 1, 64>}, {transform_indices = @transform_5, window_bounds = array<i64: 2000, 64>}]} {
    %get3A = arith.constant 0 : index
    %get3A_0 = arith.constant 0 : index
    %get3A_1 = vector.load %arg1[%get3A, %get3A_0] : memref<2000x64xf32, #tpu.memory_space<vmem>>, vector<2000x64xf32>
    %get3A_2 = arith.constant 0 : index
    %get3A_3 = arith.constant 0 : index
    %get3A_4 = vector.load %arg2[%get3A_2, %get3A_3] : memref<2000x64xf32, #tpu.memory_space<vmem>>, vector<2000x64xf32>
    %add3A = arith.addf %get3A_1, %get3A_4 : vector<2000x64xf32>
    %get3A_5 = arith.constant 0 : index
    %get3A_6 = arith.constant 0 : index
    %get3A_7 = vector.load %arg3[%get3A_5, %get3A_6] : memref<2000x1xf32, #tpu.memory_space<vmem>>, vector<2000x1xf32>
    %mul3A = vector.broadcast %get3A_7 : vector<2000x1xf32> to vector<2000x64xf32>
    %mul3A_8 = arith.mulf %mul3A, %add3A : vector<2000x64xf32>
    %get3A_9 = arith.constant 0 : index
    %get3A_10 = arith.constant 0 : index
    %get3A_11 = vector.load %arg5[%get3A_9, %get3A_10] : memref<1x64xf32, #tpu.memory_space<vmem>>, vector<1x64xf32>
    %add3A_12 = vector.broadcast %get3A_11 : vector<1x64xf32> to vector<2000x64xf32>
    %add3A_13 = arith.addf %mul3A_8, %add3A_12 : vector<2000x64xf32>
    %max3A = arith.constant 0.000000e+00 : f32
    %max3A_14 = vector.broadcast %max3A : f32 to vector<2000x64xf32>
    %max3A_15 = arith.maximumf %add3A_13, %max3A_14 : vector<2000x64xf32>
    %get3A_16 = arith.constant 0 : index
    %get3A_17 = arith.constant 0 : index
    %get3A_18 = vector.load %arg4[%get3A_16, %get3A_17] : memref<64x64xf32, #tpu.memory_space<vmem>>, vector<64x64xf32>
    %dot_general3A = arith.constant dense<0.000000e+00> : vector<2000x64xf32>
    %dot_general3A_19 = tpu.matmul %max3A_15, %get3A_18, %dot_general3A {dimension_numbers = #tpu.dot_dimension_numbers<[1], [0], [0], [1], [0, 0, 1, 1], [], []>, transpose_lhs_hint = false} : vector<2000x64xf32>, vector<64x64xf32>, vector<2000x64xf32> -> vector<2000x64xf32>
    %get3A_20 = arith.constant 0 : index
    %get3A_21 = arith.constant 0 : index
    %get3A_22 = vector.load %arg3[%get3A_20, %get3A_21] : memref<2000x1xf32, #tpu.memory_space<vmem>>, vector<2000x1xf32>
    %mul3A_23 = vector.broadcast %get3A_22 : vector<2000x1xf32> to vector<2000x64xf32>
    %mul3A_24 = arith.mulf %dot_general3A_19, %mul3A_23 : vector<2000x64xf32>
    %swap3A = arith.constant 0 : index
    %swap3A_25 = arith.constant 0 : index
    %swap3A_26 = vector.load %arg6[%swap3A, %swap3A_25] : memref<2000x64xf32, #tpu.memory_space<vmem>>, vector<2000x64xf32>
    tpu.vector_store %arg6[%swap3A, %swap3A_25], %mul3A_24 {strides = array<i32>} : memref<2000x64xf32, #tpu.memory_space<vmem>>, vector<2000x64xf32>,
    return
  }
  func.func @transform_0(%arg0: i32) -> (i32, i32) {
    %c0_i32 = arith.constant 0 : i32
    %c0_i32_0 = arith.constant 0 : i32
    return %arg0, %c0_i32 : i32, i32
  }
  func.func @transform_1(%arg0: i32) -> (i32, i32) {
    %c0_i32 = arith.constant 0 : i32
    %c0_i32_0 = arith.constant 0 : i32
    return %arg0, %c0_i32 : i32, i32
  }
  func.func @transform_2(%arg0: i32) -> (i32, i32) {
    %c0_i32 = arith.constant 0 : i32
    %c0_i32_0 = arith.constant 0 : i32
    return %arg0, %c0_i32 : i32, i32
  }
  func.func @transform_3(%arg0: i32) -> (i32, i32) {
    %c0_i32 = arith.constant 0 : i32
    %c0_i32_0 = arith.constant 0 : i32
    %c0_i32_1 = arith.constant 0 : i32
    return %c0_i32, %c0_i32_0 : i32, i32
  }
  func.func @transform_4(%arg0: i32) -> (i32, i32) {
    %c0_i32 = arith.constant 0 : i32
    %c0_i32_0 = arith.constant 0 : i32
    %c0_i32_1 = arith.constant 0 : i32
    return %c0_i32, %c0_i32_0 : i32, i32
  }
  func.func @transform_5(%arg0: i32) -> (i32, i32) {
    %c0_i32 = arith.constant 0 : i32
    %c0_i32_0 = arith.constant 0 : i32
    return %arg0, %c0_i32 : i32, i32
  }
}

module attributes {stable_mosaic.version = 14 : i64} {
  func.func @_tc_combine2_body(%arg0: i32, %arg1: memref<2000x64xf32, #tpu.memory_space<vmem>>, %arg2: memref<2000x64xf32, #tpu.memory_space<vmem>>, %arg3: memref<2000x1xf32, #tpu.memory_space<vmem>>, %arg4: memref<1x64xf32, #tpu.memory_space<vmem>>, %arg5: memref<2000x64xf32, #tpu.memory_space<vmem>>) attributes {dimension_semantics = [#tpu.dimension_semantics<arbitrary>], iteration_bounds = array<i64: 5>, scalar_prefetch = 0 : i64, scratch_operands = 0 : i64, tpu.core_type = #tpu.core_type<tc>, window_params = [{transform_indices = @transform_0, window_bounds = array<i64: 2000, 64>}, {transform_indices = @transform_1, window_bounds = array<i64: 2000, 64>}, {transform_indices = @transform_2, window_bounds = array<i64: 2000, 1>}, {pipeline_mode = #tpu.pipeline_mode<synchronous>, transform_indices = @transform_3, window_bounds = array<i64: 1, 64>}, {transform_indices = @transform_4, window_bounds = array<i64: 2000, 64>}]} {
    %get3A = arith.constant 0 : index
    %get3A_0 = arith.constant 0 : index
    %get3A_1 = vector.load %arg1[%get3A, %get3A_0] : memref<2000x64xf32, #tpu.memory_space<vmem>>, vector<2000x64xf32>
    %get3A_2 = arith.constant 0 : index
    %get3A_3 = arith.constant 0 : index
    %get3A_4 = vector.load %arg2[%get3A_2, %get3A_3] : memref<2000x64xf32, #tpu.memory_space<vmem>>, vector<2000x64xf32>
    %add3A = arith.addf %get3A_1, %get3A_4 : vector<2000x64xf32>
    %get3A_5 = arith.constant 0 : index
    %get3A_6 = arith.constant 0 : index
    %get3A_7 = vector.load %arg3[%get3A_5, %get3A_6] : memref<2000x1xf32, #tpu.memory_space<vmem>>, vector<2000x1xf32>
    %mul3A = vector.broadcast %get3A_7 : vector<2000x1xf32> to vector<2000x64xf32>
    %mul3A_8 = arith.mulf %mul3A, %add3A : vector<2000x64xf32>
    %get3A_9 = arith.constant 0 : index
    %get3A_10 = arith.constant 0 : index
    %get3A_11 = vector.load %arg4[%get3A_9, %get3A_10] : memref<1x64xf32, #tpu.memory_space<vmem>>, vector<1x64xf32>
    %add3A_12 = vector.broadcast %get3A_11 : vector<1x64xf32> to vector<2000x64xf32>
    %add3A_13 = arith.addf %mul3A_8, %add3A_12 : vector<2000x64xf32>
    %swap3A = arith.constant 0 : index
    %swap3A_14 = arith.constant 0 : index
    %swap3A_15 = vector.load %arg5[%swap3A, %swap3A_14] : memref<2000x64xf32, #tpu.memory_space<vmem>>, vector<2000x64xf32>
    tpu.vector_store %arg5[%swap3A, %swap3A_14], %add3A_13 {strides = array<i32>} : memref<2000x64xf32, #tpu.memory_space<vmem>>, vector<2000x64xf32>,
    return
  }
  func.func @transform_0(%arg0: i32) -> (i32, i32) {
    %c0_i32 = arith.constant 0 : i32
    %c0_i32_0 = arith.constant 0 : i32
    return %arg0, %c0_i32 : i32, i32
  }
  func.func @transform_1(%arg0: i32) -> (i32, i32) {
    %c0_i32 = arith.constant 0 : i32
    %c0_i32_0 = arith.constant 0 : i32
    return %arg0, %c0_i32 : i32, i32
  }
  func.func @transform_2(%arg0: i32) -> (i32, i32) {
    %c0_i32 = arith.constant 0 : i32
    %c0_i32_0 = arith.constant 0 : i32
    return %arg0, %c0_i32 : i32, i32
  }
  func.func @transform_3(%arg0: i32) -> (i32, i32) {
    %c0_i32 = arith.constant 0 : i32
    %c0_i32_0 = arith.constant 0 : i32
    %c0_i32_1 = arith.constant 0 : i32
    return %c0_i32, %c0_i32_0 : i32, i32
  }
  func.func @transform_4(%arg0: i32) -> (i32, i32) {
    %c0_i32 = arith.constant 0 : i32
    %c0_i32_0 = arith.constant 0 : i32
    return %arg0, %c0_i32 : i32, i32
  }
}

module attributes {stable_mosaic.version = 14 : i64} {
  func.func @_tc_head_body(%arg0: i32, %arg1: memref<1x16000xf32, #tpu.memory_space<vmem>>, %arg2: memref<64x16000xf32, #tpu.memory_space<vmem>>, %arg3: memref<1x64xf32, #tpu.memory_space<vmem>>, %arg4: memref<64x64xf32, #tpu.memory_space<vmem>>, %arg5: memref<1x64xf32, #tpu.memory_space<vmem>>, %arg6: memref<64x1xf32, #tpu.memory_space<vmem>>, %arg7: memref<1x1xf32, #tpu.memory_space<vmem>>, %arg8: memref<1x1xf32, #tpu.memory_space<vmem>>, %arg9: memref<1x64xf32, #tpu.memory_space<vmem>>) attributes {dimension_semantics = [#tpu.dimension_semantics<arbitrary>], iteration_bounds = array<i64: 40>, scalar_prefetch = 0 : i64, scratch_operands = 1 : i64, tpu.core_type = #tpu.core_type<tc>, window_params = [{transform_indices = @transform_0, window_bounds = array<i64: 1, 16000>}, {transform_indices = @transform_1, window_bounds = array<i64: 64, 16000>}, {pipeline_mode = #tpu.pipeline_mode<synchronous>, transform_indices = @transform_2, window_bounds = array<i64: 1, 64>}, {pipeline_mode = #tpu.pipeline_mode<synchronous>, transform_indices = @transform_3, window_bounds = array<i64: 64, 64>}, {pipeline_mode = #tpu.pipeline_mode<synchronous>, transform_indices = @transform_4, window_bounds = array<i64: 1, 64>}, {pipeline_mode = #tpu.pipeline_mode<synchronous>, transform_indices = @transform_5, window_bounds = array<i64: 64, 1>}, {pipeline_mode = #tpu.pipeline_mode<synchronous>, transform_indices = @transform_6, window_bounds = array<i64: 1, 1>}, {pipeline_mode = #tpu.pipeline_mode<synchronous>, transform_indices = @transform_7, window_bounds = array<i64: 1, 1>}]} {
    %eq3A = arith.constant 0 : i32
    %eq3A_0 = arith.cmpi eq, %arg0, %eq3A : i32
    %convert_element_type3A = arith.extui %eq3A_0 : i1 to i32
    %cond3A = arith.constant 0 : i32
    %cond3A_1 = arith.cmpi ne, %convert_element_type3A, %cond3A : i32
    scf.if %cond3A_1 {
      %broadcast_in_dim3A = arith.constant 0.000000e+00 : f32
      %broadcast_in_dim3A_18 = vector.broadcast %broadcast_in_dim3A : f32 to vector<1x64xf32>
      %swap3A_19 = arith.constant 0 : index
      %swap3A_20 = arith.constant 0 : index
      %swap3A_21 = vector.load %arg9[%swap3A_19, %swap3A_20] : memref<1x64xf32, #tpu.memory_space<vmem>>, vector<1x64xf32>
      tpu.vector_store %arg9[%swap3A_19, %swap3A_20], %broadcast_in_dim3A_18 {strides = array<i32>} : memref<1x64xf32, #tpu.memory_space<vmem>>, vector<1x64xf32>,
    } else {
    }
    %get3A = arith.constant 0 : index
    %get3A_2 = arith.constant 0 : index
    %get3A_3 = vector.load %arg9[%get3A, %get3A_2] : memref<1x64xf32, #tpu.memory_space<vmem>>, vector<1x64xf32>
    %get3A_4 = arith.constant 0 : index
    %get3A_5 = arith.constant 0 : index
    %get3A_6 = vector.load %arg1[%get3A_4, %get3A_5] : memref<1x16000xf32, #tpu.memory_space<vmem>>, vector<1x16000xf32>
    %get3A_7 = arith.constant 0 : index
    %get3A_8 = arith.constant 0 : index
    %get3A_9 = vector.load %arg2[%get3A_7, %get3A_8] : memref<64x16000xf32, #tpu.memory_space<vmem>>, vector<64x16000xf32>
    %dot_general3A = arith.constant dense<0.000000e+00> : vector<1x64xf32>
    %dot_general3A_10 = tpu.matmul %get3A_6, %get3A_9, %dot_general3A {dimension_numbers = #tpu.dot_dimension_numbers<[1], [1], [0], [0], [0, 0, 1, 0], [], []>, transpose_lhs_hint = false} : vector<1x16000xf32>, vector<64x16000xf32>, vector<1x64xf32> -> vector<1x64xf32>
    %add3A = arith.addf %get3A_3, %dot_general3A_10 : vector<1x64xf32>
    %swap3A = arith.constant 0 : index
    %swap3A_11 = arith.constant 0 : index
    %swap3A_12 = vector.load %arg9[%swap3A, %swap3A_11] : memref<1x64xf32, #tpu.memory_space<vmem>>, vector<1x64xf32>
    tpu.vector_store %arg9[%swap3A, %swap3A_11], %add3A {strides = array<i32>} : memref<1x64xf32, #tpu.memory_space<vmem>>, vector<1x64xf32>,
    %eq3A_13 = arith.constant 39 : i32
    %eq3A_14 = arith.cmpi eq, %arg0, %eq3A_13 : i32
    %convert_element_type3A_15 = arith.extui %eq3A_14 : i1 to i32
    %cond3A_16 = arith.constant 0 : i32
    %cond3A_17 = arith.cmpi ne, %convert_element_type3A_15, %cond3A_16 : i32
    scf.if %cond3A_17 {
      %get3A_18 = arith.constant 0 : index
      %get3A_19 = arith.constant 0 : index
      %get3A_20 = vector.load %arg9[%get3A_18, %get3A_19] : memref<1x64xf32, #tpu.memory_space<vmem>>, vector<1x64xf32>
      %get3A_21 = arith.constant 0 : index
      %get3A_22 = arith.constant 0 : index
      %get3A_23 = vector.load %arg3[%get3A_21, %get3A_22] : memref<1x64xf32, #tpu.memory_space<vmem>>, vector<1x64xf32>
      %add3A_24 = arith.addf %get3A_20, %get3A_23 : vector<1x64xf32>
      %max3A = arith.constant 0.000000e+00 : f32
      %max3A_25 = vector.broadcast %max3A : f32 to vector<1x64xf32>
      %max3A_26 = arith.maximumf %add3A_24, %max3A_25 : vector<1x64xf32>
      %get3A_27 = arith.constant 0 : index
      %get3A_28 = arith.constant 0 : index
      %get3A_29 = vector.load %arg4[%get3A_27, %get3A_28] : memref<64x64xf32, #tpu.memory_space<vmem>>, vector<64x64xf32>
      %dot_general3A_30 = arith.constant dense<0.000000e+00> : vector<1x64xf32>
      %dot_general3A_31 = tpu.matmul %max3A_26, %get3A_29, %dot_general3A_30 {dimension_numbers = #tpu.dot_dimension_numbers<[1], [0], [0], [1], [0, 0, 1, 1], [], []>, transpose_lhs_hint = false} : vector<1x64xf32>, vector<64x64xf32>, vector<1x64xf32> -> vector<1x64xf32>
      %get3A_32 = arith.constant 0 : index
      %get3A_33 = arith.constant 0 : index
      %get3A_34 = vector.load %arg5[%get3A_32, %get3A_33] : memref<1x64xf32, #tpu.memory_space<vmem>>, vector<1x64xf32>
      %add3A_35 = arith.addf %dot_general3A_31, %get3A_34 : vector<1x64xf32>
      %max3A_36 = arith.constant 0.000000e+00 : f32
      %max3A_37 = vector.broadcast %max3A_36 : f32 to vector<1x64xf32>
      %max3A_38 = arith.maximumf %add3A_35, %max3A_37 : vector<1x64xf32>
      %get3A_39 = arith.constant 0 : index
      %get3A_40 = arith.constant 0 : index
      %get3A_41 = vector.load %arg6[%get3A_39, %get3A_40] : memref<64x1xf32, #tpu.memory_space<vmem>>, vector<64x1xf32>
      %dot_general3A_42 = arith.constant dense<0.000000e+00> : vector<1x1xf32>
      %dot_general3A_43 = tpu.matmul %max3A_38, %get3A_41, %dot_general3A_42 {dimension_numbers = #tpu.dot_dimension_numbers<[1], [0], [0], [1], [0, 0, 1, 1], [], []>, transpose_lhs_hint = false} : vector<1x64xf32>, vector<64x1xf32>, vector<1x1xf32> -> vector<1x1xf32>
      %get3A_44 = arith.constant 0 : index
      %get3A_45 = arith.constant 0 : index
      %get3A_46 = vector.load %arg7[%get3A_44, %get3A_45] : memref<1x1xf32, #tpu.memory_space<vmem>>, vector<1x1xf32>
      %add3A_47 = arith.addf %dot_general3A_43, %get3A_46 : vector<1x1xf32>
      %swap3A_48 = arith.constant 0 : index
      %swap3A_49 = arith.constant 0 : index
      %swap3A_50 = vector.load %arg8[%swap3A_48, %swap3A_49] : memref<1x1xf32, #tpu.memory_space<vmem>>, vector<1x1xf32>
      tpu.vector_store %arg8[%swap3A_48, %swap3A_49], %add3A_47 {strides = array<i32>} : memref<1x1xf32, #tpu.memory_space<vmem>>, vector<1x1xf32>,
    } else {
    }
    return
  }
  func.func @transform_0(%arg0: i32) -> (i32, i32) {
    %c0_i32 = arith.constant 0 : i32
    %c0_i32_0 = arith.constant 0 : i32
    return %c0_i32, %arg0 : i32, i32
  }
  func.func @transform_1(%arg0: i32) -> (i32, i32) {
    %c0_i32 = arith.constant 0 : i32
    %c0_i32_0 = arith.constant 0 : i32
    return %c0_i32, %arg0 : i32, i32
  }
  func.func @transform_2(%arg0: i32) -> (i32, i32) {
    %c0_i32 = arith.constant 0 : i32
    %c0_i32_0 = arith.constant 0 : i32
    %c0_i32_1 = arith.constant 0 : i32
    return %c0_i32, %c0_i32_0 : i32, i32
  }
  func.func @transform_3(%arg0: i32) -> (i32, i32) {
    %c0_i32 = arith.constant 0 : i32
    %c0_i32_0 = arith.constant 0 : i32
    %c0_i32_1 = arith.constant 0 : i32
    return %c0_i32, %c0_i32_0 : i32, i32
  }
  func.func @transform_4(%arg0: i32) -> (i32, i32) {
    %c0_i32 = arith.constant 0 : i32
    %c0_i32_0 = arith.constant 0 : i32
    %c0_i32_1 = arith.constant 0 : i32
    return %c0_i32, %c0_i32_0 : i32, i32
  }
  func.func @transform_5(%arg0: i32) -> (i32, i32) {
    %c0_i32 = arith.constant 0 : i32
    %c0_i32_0 = arith.constant 0 : i32
    %c0_i32_1 = arith.constant 0 : i32
    return %c0_i32, %c0_i32_0 : i32, i32
  }
  func.func @transform_6(%arg0: i32) -> (i32, i32) {
    %c0_i32 = arith.constant 0 : i32
    %c0_i32_0 = arith.constant 0 : i32
    %c0_i32_1 = arith.constant 0 : i32
    return %c0_i32, %c0_i32_0 : i32, i32
  }
  func.func @transform_7(%arg0: i32) -> (i32, i32) {
    %c0_i32 = arith.constant 0 : i32
    %c0_i32_0 = arith.constant 0 : i32
    %c0_i32_1 = arith.constant 0 : i32
    return %c0_i32, %c0_i32_0 : i32, i32
  }
}

</mosaic_0001>

<sc_bundles>
// kernel: kernel.12.cloned.1.call-start
scs
__scs_entry_jumppad:
0x0: {  	(pc) =	sbr.rel $0x88, $3  }
0x1: {  	(tag) =	ssettag $0x0;
	lr =	simm.s32 $0x1  }
0x2: {  	[smem:$0x3F95] =	sst lr;
	_ =	strace $0xD0000000  }
0x3: {  	_ = 	snop  }
0x4: {  	_ = 	snop  }
0x5: {  	_ = 	snop  }
0x6: {  	_ = 	snop  }
0x7: {  	_ = 	snop  }
__scs_overlays_trampoline_lowered:
0x8: {  	[smem:$0x3FA4] =	sst s0  }
0x9: {  	[smem:$0x3FA5] =	sst s1  }
0xa: {  	[smem:$0x3FA6] =	sst s2  }
0xb: {  	[smem:$0x3FA7] =	sst s3  }
0xc: {  	[smem:$0x3FA8] =	sst s4  }
0xd: {  	[smem:$0x3FA9] =	sst s5  }
0xe: {  	[smem:$0x3FAA] =	sst s6  }
0xf: {  	[smem:$0x3FAB] =	sst s7  }
0x10: {  	[smem:$0x3FAC] =	sst s8  }
0x11: {  	[smem:$0x3FAD] =	sst s9;
	s0 =	simm.s32 @!p0 $0x0  }
0x12: {  	s1 =	sld [smem:$0x3F93];
	s0 =	simm.s32 @p0 $0x1  }
0x13: {  	[smem:$0x3FAE] =	sst s0;
	s0 =	simm.s32 @!p1 $0x0  }
0x14: {  	s2 =	sld [smem:$0x3F92];
	s0 =	simm.s32 @p1 $0x1  }
0x15: {  	[smem:$0x3FAF] =	sst s0;
	s0 =	simm.s32 @!p2 $0x0  }
0x16: {  	s3 =	sld [smem:$0x3FDB];
	s0 =	simm.s32 @p2 $0x1  }
0x17: {  	s4 =	simm.s32 $0x1BF5;
	[smem:$0x3FB1] =	sst s0  }
0x18: {  	s0 =	sld [smem:$0x3F94];
	_ =	swait.ge [sflag:s4], $0x0  }
0x19: {  	s7 =	sld [smem:$0x3F95]  }
0x1a: {  	s8 =	sadd.s32 $0xFFFFE003, lr  }
0x1b: {  	s9 =	sadd.s32 $0xFFFFFEF7, lr;
	s5 =	simm.s32 $0xFFFFFFFF;
	p2 =	slt.u32 s8, $0xFFFFF086  }
0x1c: {  	p1 =	slt.u32 s9, $0xF7A;
	s5 =	simm.s32 @!p2 $0x0  }
0x1d: {  	s5 =	simm.s32 @p1 $0x1;
	p0 =	seq.s32 s7, s2  }
0x1e: {  	s7 =	smul.u32 @!p0 $0xF7A, s2;
	p2 =	seq.s32 @!p0 s5, $0x0  }
0x1f: {  	s9 =	smul.u32 $0xF7A, s1;
	s8 =	simm.s32 @!p0 $0x1BF5;
	p2 =	por !p2, p0  }
0x20: {  	[sflag:s8] =	ssyncset.s32 @!p0 $0xFFFFF086;
	s6 =	sadd.s32 @!p0 s3, s7;
	s7 =	simm.s32 @!p0 $0x108  }
0x21: {  	s3 =	sadd.s32 s3, s9;
	s6 =	sadd.s32 @!p0 $0x88, s6;
	s7 =	simm.s32 @p2 $0x1082  }
0x22: {  	[simem:s7], [sflag:s8] =	dma.local @!p0 [hbm:s6], $0xF7A  }
0x23: {  	s9 =	sor.u32 $0xD0000000, s2;
	s6 =	simm.s32 $0x108;
	_ =	swait.ge @!p0 [sflag:s8], $0x0  }
0x24: {  	s3 =	sadd.s32 $0x88, s3;
	s6 =	simm.s32 @!p1 $0x1082;
	[sflag:s4] =	ssyncset.s32 $0xFFFFF086  }
0x25: {  	[simem:s6], [sflag:s4] =	dma.local [hbm:s3], $0xF7A  }
0x26: {  	[smem:$0x3F95] =	sst s1;
	(tag) =	ssettag s2;
	_ =	strace s9  }
0x27: {  	s1 =	sld [smem:$0x3FA5]  }
0x28: {  	s2 =	sld [smem:$0x3FA6]  }
0x29: {  	s4 =	sld [smem:$0x3FA8]  }
0x2a: {  	p0 =	seq.s32 s5, $0x0;
	s5 =	sld [smem:$0x3FA9]  }
0x2b: {  	s6 =	sld [smem:$0x3FAA]  }
0x2c: {  	s7 =	sld [smem:$0x3FAB]  }
0x2d: {  	s3 =	simm.s32 $0x108;
	s8 =	sld [smem:$0x3FAC]  }
0x2e: {  	s3 =	simm.s32 @!p0 $0x1082;
	s9 =	sld [smem:$0x3FAD]  }
0x2f: {  	lr =	sadd.s32 s0, s3;
	s0 =	sld [smem:$0x3FA4]  }
0x30: {  	s3 =	sld [smem:$0x3FA7]  }
0x31: {  	[smem:$0x3FB0] =	sst s10  }
0x32: {  	s10 =	sld [smem:$0x3FAE];
	_ =	sdelay $0x3  }
0x33: {  	p0 =	seq.s32 s10, $0x1;
	s10 =	sld [smem:$0x3FB0];
	_ =	sdelay $0x3  }
0x34: {  	[smem:$0x3FB0] =	sst s10  }
0x35: {  	s10 =	sld [smem:$0x3FAF];
	_ =	sdelay $0x3  }
0x36: {  	p1 =	seq.s32 s10, $0x1;
	s10 =	sld [smem:$0x3FB0];
	_ =	sdelay $0x3  }
0x37: {  	[smem:$0x3FB0] =	sst s10  }
0x38: {  	s10 =	sld [smem:$0x3FB1]  }
0x39: {  	_ = 	snop;
	(pc) =	sbr.ind lr, $3  }
0x3a: {  	_ = 	snop  }
0x3b: {  	_ = 	snop  }
0x3c: {  	p2 =	seq.s32 s10, $0x1;
	s10 =	sld [smem:$0x3FB0]  }
0x3d: {  	_ =	shalt  }
0x3e: {  	_ =	shalt  }
0x3f: {  	_ =	shalt  }
0x40: {  	_ =	shalt  }
0x41: {  	_ =	shalt  }
0x42: {  	_ =	shalt  }
0x43: {  	_ =	shalt  }
0x44: {  	_ =	shalt  }
0x45: {  	_ =	shalt  }
0x46: {  	_ =	shalt  }
0x47: {  	_ =	shalt  }
0x48: {  	_ =	shalt  }
0x49: {  	_ =	shalt  }
0x4a: {  	_ =	shalt  }
0x4b: {  	_ =	shalt  }
0x4c: {  	_ =	shalt  }
0x4d: {  	_ =	shalt  }
0x4e: {  	_ =	shalt  }
0x4f: {  	_ =	shalt  }
0x50: {  	_ =	shalt  }
0x51: {  	_ =	shalt  }
0x52: {  	_ =	shalt  }
0x53: {  	_ =	shalt  }
0x54: {  	_ =	shalt  }
0x55: {  	_ =	shalt  }
0x56: {  	_ =	shalt  }
0x57: {  	_ =	shalt  }
0x58: {  	_ =	shalt  }
0x59: {  	_ =	shalt  }
0x5a: {  	_ =	shalt  }
0x5b: {  	_ =	shalt  }
0x5c: {  	_ =	shalt  }
0x5d: {  	_ =	shalt  }
0x5e: {  	_ =	shalt  }
0x5f: {  	_ =	shalt  }
0x60: {  	_ =	shalt  }
0x61: {  	_ =	shalt  }
0x62: {  	_ =	shalt  }
0x63: {  	_ =	shalt  }
0x64: {  	_ =	shalt  }
0x65: {  	_ =	shalt  }
0x66: {  	_ =	shalt  }
0x67: {  	_ =	shalt  }
0x68: {  	_ =	shalt  }
0x69: {  	_ =	shalt  }
0x6a: {  	_ =	shalt  }
0x6b: {  	_ =	shalt  }
0x6c: {  	_ =	shalt  }
0x6d: {  	_ =	shalt  }
0x6e: {  	_ =	shalt  }
0x6f: {  	_ =	shalt  }
0x70: {  	_ =	shalt  }
0x71: {  	_ =	shalt  }
0x72: {  	_ =	shalt  }
0x73: {  	_ =	shalt  }
0x74: {  	_ =	shalt  }
0x75: {  	_ =	shalt  }
0x76: {  	_ =	shalt  }
0x77: {  	_ =	shalt  }
0x78: {  	_ =	shalt  }
0x79: {  	_ =	shalt  }
0x7a: {  	_ =	shalt  }
0x7b: {  	_ =	shalt  }
0x7c: {  	_ =	shalt  }
0x7d: {  	_ =	shalt  }
0x7e: {  	_ =	shalt  }
0x7f: {  	_ =	shalt  }
0x80: {  	_ =	shalt  }
0x81: {  	_ =	shalt  }
0x82: {  	_ =	shalt  }
0x83: {  	_ =	shalt  }
0x84: {  	_ =	shalt  }
0x85: {  	_ =	shalt  }
0x86: {  	_ =	shalt  }
0x87: {  	_ =	shalt  }
.Lfunc_end0:
.L_simem_size_0:
called_computation.1_lowered:
.L_overlay_start_0:
0x88: {  	s0 =	sld [smem:$0x3FD9]  }
0x89: {  	s1 =	sld [smem:$0x3FFE];
	_ =	sdelay $0x3  }
0x8a: {  	s0 =	sadd.s32 s1, s0  }
0x8b: {  	[smem:$0x3FBC] =	sst s0  }
0x8c: {  	_ = 	snop  }
0x8d: {  	(tm) =	ssettm $0x1  }
0x8e: {  	s15 =	sld [smem:$0x3FFB];
	_ =	sdelay $0x3  }
0x8f: {  	_ =	strace s15  }
0x90: {  	s0 =	sld [smem:$0x3FFC];
	_ =	sdelay $0x3  }
0x91: {  	_ =	strace s0  }
0x92: {  	s0 =	sld [smem:$0x3FFD];
	_ =	sdelay $0x3  }
0x93: {  	_ =	strace s0  }
0x94: {  	_ =	strace $0x8FFFFFFF  }
0x95: {  	s16 =	sld [smem:$0x3FDB];
	_ =	sdelay $0x1  }
0x96: {  	s17 =	simm.s32 $_scs_section_size  }
0x97: {  	s2 =	simm.s32 $_size__tile_overlayer_lowered;
	s3 =	simm.s32 $_tile_overlayer_lowered  }
0x98: {  	s20 =	simm.s32 $0x1BFF;
	s19 =	sshll.u32 s3, $0x1;
	s0 =	sadd.s32 s17, s16  }
0x99: {  	s4 =	simm.s32 $0x0;
	s18 =	sshll.u32 s2, $0x1;
	s2 =	sadd.s32 s19, s0  }
0x9a: {  	[timem:s4], [sflag:s20] =	dma.local [hbm:s2], s18  }
0x9b: {  	_ =	swait.ge [sflag:s20], s18  }
0x9c: {  	s1 =	ssub.s32 $0x0, s18;
	[sflag:s20] =	ssyncset.done $0x0  }
0x9d: {  	[sflag:s20] =	ssyncadd.s32 s1;
	_ =	sdelay $0x1  }
0x9e: {  	s21 =	simm.s32 $0x1B8B  }
0x9f: {  	_ =	swait.ge [sflag:s21], $0x1  }
0xa0: {  	[sflag:s21] =	ssyncset.done $0x0  }
0xa1: {  	s23 =	simm.s32 $0x1B8E;
	s22 =	sld [smem:$0x3FFE];
	[sflag:s21] =	ssyncadd.s32 $0xFFFFFFFF  }
0xa2: {  	s24 =	simm.s32 $execute0_lowered;
	[smem:$0x3FD2] =	sst s23  }
0xa3: {  	s2 =	sshll.u32 s24, $0x1;
	_ =	strace $0x80000049;
	[dreg:$0x1] =	wrdreg $0xFFFFFFFF  }
0xa4: {  	s25 =	simm.s32 $_size_execute0_lowered;
	s0 =	sadd.s32 s0, s2;
	[dreg:$0x0] =	wrdreg $0x0  }
0xa5: {  	s2 =	sshll.u32 s25, $0x1;
	[dreg:$0x2] =	wrdreg s0  }
0xa6: {  	[dreg:$0x3] =	wrdreg s2  }
0xa7: {  	[dreg:$0x4] =	wrdreg $0xC0  }
0xa8: {  	_ =	task [dreg:s4], $0x5FFFF  }
0xa9: {  	[dreg:$0x1] =	wrdreg $0xFFFFFFFF  }
0xaa: {  	[dreg:$0x0] =	wrdreg $0x60  }
0xab: {  	[dreg:$0x2] =	wrdreg s22  }
0xac: {  	[dreg:$0x3] =	wrdreg $0xD0000  }
0xad: {  	[dreg:$0x4] =	wrdreg $0x9  }
0xae: {  	_ =	task.clear_ibuf [dreg:s4], $0x5FFFF;
	_ =	strace $0x90000049  }
0xaf: {  	s26 =	simm.s32 $0x9;
	_ =	strace $0x8000004B  }
0xb0: {  	_ =	swait.ge [sflag:s26], $0x1  }
0xb1: {  	[sflag:s26] =	ssyncadd.s32 $0xFFFFFFFF  }
0xb2: {  	_ =	strace $0x9000004B  }
0xb3: {  	_ =	sfence  }
0xb4: {  	s28 =	sld [smem:$0x0];
	_ =	sdelay $0x1  }
0xb5: {  	s29 =	srdreg.scid  }
0xb6: {  	s30 =	sshll.u32 s29, $0xD;
	s31 =	sshrl.u32 s29, $0x2  }
0xb7: {  	s1 =	sand.u32 $0x1, s29;
	s2 =	sand.u32 $0x4000, s30;
	s0 =	sadd.s32 s31, s28  }
0xb8: {  	s1 =	sor.u32 s2, s1;
	s0 =	sshll.u32 s0, $0x11  }
0xb9: {  	s0 =	sor.u32 s0, s1  }
0xba: {  	s0 =	sadd.s32 $0x8F2B, s0  }
0xbb: {  	[sflag:s0] =	ssyncadd.remote.s32 $0x1  }
0xbc: {  	_ =	sfence.sel $0xFFFF  }
0xbd: {  	[dreg:$0x0] =	wrdreg $0xFFFFFFFF;
	(pc) =	sbr.abs _section_cstart, $3  }
0xbe: {  	[dreg:$0x1] =	wrdreg $0xFFFFFFFF  }
0xbf: {  	_ =	task.clear_ibuf [dreg:s4], $0x2FFFF;
	_ =	strace $0x9FFFFFFF  }
0xc0: {  	(tm) =	ssettm $0x7FFFFFFF  }
0xc1: {  	_ =	shalt  }
tec
execute0_lowered:
.L_overlay_start_1:
0x0: {  	(tag) =	ssettag $0x1  }
0x1: {  	s9 =	rddreg [dreg:$0x0];
	s0 =	stileid.u32  }
0x2: {  	s2 =	rddreg [dreg:$0x1];
	s3 =	smul.u32 $0x500, s0  }
0x3: {  	s1 =	rddreg [dreg:$0x2];
	s10 =	simm.s32 $0x0  }
0x4: {  	[smem:$0x7FF] =	sst s10;
	s5 =	sadd.s32 s3, s9  }
0x5: {  	s4 =	simm.s32 $0x5;
	_ =	strace $0x8000004A;
	s3 =	sadd.s32 $0x16800, s5  }
0x6: {  	[tilespmem:s10], [sflag:$0x5] =	stream.linear.gather [hbm4b:s3+s10], $0x2800, $0x38;
	[tilespmem:$0x16E00] =	vst v63  }
0x7: {  	_ =	swait.ge [sflag:s4], $0x2800  }
0x8: {  	s13 =	simm.s32 $0x2800;
	s6 =	smul.u32 $0x9E00, s0;
	[sflag:s4] =	ssyncset.done $0x0  }
0x9: {  	s26 =	sshll.u32 s0, $0x6;
	s5 =	sadd.s32 $0x2800, s5;
	[sflag:s4] =	ssyncadd.s32 $0xFFFFD800  }
0xa: {  	[tilespmem:s13], [sflag:$0x5] =	stream.linear.gather [hbm4b:s5+s10], $0x2800, $0x38;
	[tilespmem:$0x16E00] =	vst v63  }
0xb: {  	s3 =	sshrl.u32 s6, $0x3;
	s6 =	sadd.s32 s6, s2;
	_ =	swait.ge [sflag:s4], $0x2800  }
0xc: {  	s25 =	sadd.s32 s3, s9;
	s6 =	sshrl.u32 s6, $0x3;
	[sflag:s4] =	ssyncset.done $0x0  }
0xd: {  	s7 =	sadd.s32 $0x56400, s25;
	s5 =	sor.u32 $0x1C05, s26;
	[sflag:s4] =	ssyncadd.s32 $0xFFFFD800  }
0xe: {  	[spmem:s6], [sflag:s5] =	dma.local [hbm:s7], $0x13C0  }
0xf: {  	_ =	swait.ge [sflag:s4], $0x13C0  }
0x10: {  	[sflag:s4] =	ssyncset.done $0x0  }
0x11: {  	s8 =	simm.s32 $0x80;
	[sflag:s4] =	ssyncadd.s32 $0xFFFFEC40  }
0x12: {  	s11 =	simm.s32 $0x5000;
	s7 =	sadd.s32 $0x42A00, s9;
	[bflag:$0x0] =	sbarrier.arrive $0xFFFF  }
0x13: {  	[tilespmem:s11], [sflag:$0x1] =	stream.indirect.gather [hbm4b:s7+s8], $0x40, s10, s8, $0xb8;
	[tilespmem:$0x16E00] =	vst v63  }
0x14: {  	s28 =	simm.s32 $0x7000  }
0x15: {  	[tilespmem:s28], [sflag:$0x2] =	stream.indirect.gather [hbm4b:s7+s8], $0x40, s8, s8, $0xb8;
	[tilespmem:$0x16E00] =	vst v63  }
0x16: {  	s29 =	simm.s32 $0x100;
	s12 =	simm.s32 $0x9000;
	s14 =	sand.u32 $0x3, s10  }
0x17: {  	[tilespmem:s12], [sflag:$0x3] =	stream.indirect.gather [hbm4b:s7+s8], $0x40, s29, s8, $0xb8;
	[tilespmem:$0x16E00] =	vst v63  }
0x18: {  	s30 =	simm.s32 $0x180;
	s31 =	simm.s32 $0xB000;
	s12 =	sadd.s32 $0x1, s14  }
0x19: {  	[tilespmem:s31], [sflag:$0x4] =	stream.indirect.gather [hbm4b:s7+s8], $0x40, s30, s8, $0xb8;
	[tilespmem:$0x16E00] =	vst v63  }
0x1a: {  	s16 =	simm.s32 $0x2;
	p1 =	por $0x0, $0x0;
	_ =	swait.ge [sflag:s12], $0x2000  }
0x1b: {  	s19 =	simm.s32 @!p1 $0x80;
	s15 =	sshll.u32 s14, $0xD;
	[sflag:s12] =	ssyncset.done $0x0  }
0x1c: {  	s18 =	sadd.s32 $0x5000, s15;
	s15 =	simm.s32 $0x2880;
	[sflag:s12] =	ssyncadd.s32 $0xFFFFE000  }
0x1d: {  	[spmem:s2] =	stream.indirect.scatter.add.f32 [tilespmem:s18], [sflag:$0x5], $0x40, s13, s8, $0xb8;
	[tilespmem:$0x16E00] =	vst v63  }
0x1e: {  	s9 =	sadd.s32 $0x6A000, s9;
	s10 =	simm.s32 $0x1;
	_ =	swait.ge [sflag:s4], $0x2000  }
0x1f: {  	s11 =	simm.s32 $0x200;
	s14 =	sand.u32 $0x3, s10;
	[sflag:s4] =	ssyncset.done $0x0  }
0x20: {  	s17 =	sshll.u32 s14, $0xD;
	s13 =	simm.s32 $0x280;
	[sflag:s4] =	ssyncadd.s32 $0xFFFFE000  }
.LBB2_1:
0x21: {  	[tilespmem:s18], [sflag:s12] =	stream.indirect.gather @!p1 [hbm4b:s7+s19], $0x40, s11, s19, $0xb8;
	[tilespmem:$0x16E00] =	vst v63  }
0x22: {  	s19 =	smov.u32 s10;
	s10 =	smov.u32 s16;
	s11 =	smov.u32 s13  }
0x23: {  	s16 =	sadd.s32 $0x1, s16;
	s12 =	sadd.s32 $0x1, s14;
	s14 =	sand.u32 $0x3, s10  }
0x24: {  	p0 =	sne.s32 s16, $0x50;
	s20 =	sshll.u32 s14, $0xD;
	_ =	swait.ge [sflag:s12], $0x2000  }
0x25: {  	[sflag:s12] =	ssyncset.done $0x0  }
.Ltmp0:
0x26: {  	s18 =	sadd.s32 $0x5000, s17;
	[sflag:s12] =	ssyncadd.s32 $0xFFFFE000;
	(pc) =	sbr.rel @p0 .LBB2_1-.Ltmp0, $4  }
0x27: {  	[spmem:s2] =	stream.indirect.scatter.add.f32 [tilespmem:s18], [sflag:$0x5], $0x40, s15, s8, $0xb8;
	[tilespmem:$0x16E00] =	vst v63  }
0x28: {  	s17 =	smov.u32 s20;
	_ =	swait.ge [sflag:s4], $0x2000  }
0x29: {  	p1 =	sgt.u32 s19, $0x4B;
	s15 =	sadd.s32 $0x80, s15;
	[sflag:s4] =	ssyncset.done $0x0  }
0x2a: {  	s13 =	sadd.s32 $0x80, s13;
	s19 =	simm.s32 @!p1 $0x80;
	[sflag:s4] =	ssyncadd.s32 $0xFFFFE000  }
0x2b: {  	[tilespmem:s18], [sflag:s12] =	stream.indirect.gather @!p1 [hbm4b:s7+s19], $0x40, s11, s19, $0xb8;
	[tilespmem:$0x16E00] =	vst v63  }
0x2c: {  	s11 =	sadd.s32 $0x1, s14  }
0x2d: {  	_ =	swait.ge [sflag:s11], $0x2000  }
0x2e: {  	[sflag:s11] =	ssyncset.done $0x0  }
0x2f: {  	s12 =	sadd.s32 $0x5000, s17;
	[sflag:s11] =	ssyncadd.s32 $0xFFFFE000  }
0x30: {  	[spmem:s2] =	stream.indirect.scatter.add.f32 [tilespmem:s12], [sflag:$0x5], $0x40, s15, s8, $0xb8;
	[tilespmem:$0x16E00] =	vst v63  }
0x31: {  	_ =	swait.ge [sflag:s4], $0x2000  }
0x32: {  	p0 =	sgt.u32 s10, $0x4B;
	[sflag:s4] =	ssyncset.done $0x0  }
0x33: {  	s2 =	simm.s32 @!p0 $0x80;
	[sflag:s4] =	ssyncadd.s32 $0xFFFFE000  }
0x34: {  	[tilespmem:s12], [sflag:s11] =	stream.indirect.gather @!p0 [hbm4b:s7+s2], $0x40, s13, s2, $0xb8;
	[tilespmem:$0x16E00] =	vst v63  }
0x35: {  	s30 =	sadd.s32 s9, s3;
	s31 =	simm.s32 $0x5;
	[bflag:$0x0] =	sbarrier.arrive $0xFFFF  }
0x36: {  	[hbm:s30], [sflag:s5] =	dma.local [spmem:s6], $0x13C0  }
0x37: {  	_ =	swait.ge [sflag:s31], $0x13C0  }
0x38: {  	[sflag:s31] =	ssyncset.done $0x0  }
0x39: {  	[sflag:s31] =	ssyncadd.s32 $0xFFFFEC40  }
0x3a: {  	_ =	sfence.sel $0x180000  }
0x3b: {  	[bflag:$0x0] =	sbarrier.arrive $0xFFFF  }
0x3c: {  	p0 =	sne.s32 s0, $0x0;
	_ =	strace $0x9000004A  }
0x3d: {  	s0 =	sadd.s32 @!p0 $0x100000, s1;
	[bflag:$0x2] =	sbarrier.arrive $0xFFFF  }
0x3e: {  	[sflag:s0] =	ssyncadd.tile.s32 @!p0 $0x1;
	_ =	shalt  }
.Lfunc_end2:
_tile_overlayer_lowered:
.L_overlay_start_2:
0x3f: {  	(tag) =	ssettag $0x2  }
0x40: {  	s0 =	rddreg [dreg:$0x0];
	s2 =	stileid.u32  }
0x41: {  	s1 =	rddreg [dreg:$0x1];
	p0 =	sne.s32 s2, $0x0  }
0x42: {  	s3 =	rddreg [dreg:$0x2];
	[bflag:$0x3] =	sbarrier.arrive $0xFFFF;
	s2 =	simm.s32 @!p0 $0x1C05  }
0x43: {  	[timem:s3], [sflag:s2] =	dma.local @!p0 [hbm:s0], s1  }
0x44: {  	s0 =	simm.s32 @!p0 $0x5  }
0x45: {  	_ =	swait.ge @!p0 [sflag:s0], s1  }
0x46: {  	s1 =	ssub.s32 @!p0 $0x0, s1;
	[sflag:s0] =	ssyncset.done @!p0 $0x0  }
0x47: {  	[sflag:s0] =	ssyncadd.s32 @!p0 s1  }
0x48: {  	[bflag:$0x3] =	sbarrier.arrive $0xFFFF  }
0x49: {  	_ =	shalt  }

// kernel: kernel.15.cloned.1.call-start
scs
__scs_entry_jumppad:
0x0: {  	(pc) =	sbr.rel $0x88, $3  }
0x1: {  	(tag) =	ssettag $0x0;
	lr =	simm.s32 $0x1  }
0x2: {  	[smem:$0x3F95] =	sst lr;
	_ =	strace $0xD0000000  }
0x3: {  	_ = 	snop  }
0x4: {  	_ = 	snop  }
0x5: {  	_ = 	snop  }
0x6: {  	_ = 	snop  }
0x7: {  	_ = 	snop  }
__scs_overlays_trampoline_lowered:
0x8: {  	[smem:$0x3FA4] =	sst s0  }
0x9: {  	[smem:$0x3FA5] =	sst s1  }
0xa: {  	[smem:$0x3FA6] =	sst s2  }
0xb: {  	[smem:$0x3FA7] =	sst s3  }
0xc: {  	[smem:$0x3FA8] =	sst s4  }
0xd: {  	[smem:$0x3FA9] =	sst s5  }
0xe: {  	[smem:$0x3FAA] =	sst s6  }
0xf: {  	[smem:$0x3FAB] =	sst s7  }
0x10: {  	[smem:$0x3FAC] =	sst s8  }
0x11: {  	[smem:$0x3FAD] =	sst s9;
	s0 =	simm.s32 @!p0 $0x0  }
0x12: {  	s1 =	sld [smem:$0x3F93];
	s0 =	simm.s32 @p0 $0x1  }
0x13: {  	[smem:$0x3FAE] =	sst s0;
	s0 =	simm.s32 @!p1 $0x0  }
0x14: {  	s2 =	sld [smem:$0x3F92];
	s0 =	simm.s32 @p1 $0x1  }
0x15: {  	[smem:$0x3FAF] =	sst s0;
	s0 =	simm.s32 @!p2 $0x0  }
0x16: {  	s3 =	sld [smem:$0x3FDB];
	s0 =	simm.s32 @p2 $0x1  }
0x17: {  	s4 =	simm.s32 $0x1BF5;
	[smem:$0x3FB1] =	sst s0  }
0x18: {  	s0 =	sld [smem:$0x3F94];
	_ =	swait.ge [sflag:s4], $0x0  }
0x19: {  	s7 =	sld [smem:$0x3F95]  }
0x1a: {  	s8 =	sadd.s32 $0xFFFFE003, lr  }
0x1b: {  	s9 =	sadd.s32 $0xFFFFFEF7, lr;
	s5 =	simm.s32 $0xFFFFFFFF;
	p2 =	slt.u32 s8, $0xFFFFF086  }
0x1c: {  	p1 =	slt.u32 s9, $0xF7A;
	s5 =	simm.s32 @!p2 $0x0  }
0x1d: {  	s5 =	simm.s32 @p1 $0x1;
	p0 =	seq.s32 s7, s2  }
0x1e: {  	s7 =	smul.u32 @!p0 $0xF7A, s2;
	p2 =	seq.s32 @!p0 s5, $0x0  }
0x1f: {  	s9 =	smul.u32 $0xF7A, s1;
	s8 =	simm.s32 @!p0 $0x1BF5;
	p2 =	por !p2, p0  }
0x20: {  	[sflag:s8] =	ssyncset.s32 @!p0 $0xFFFFF086;
	s6 =	sadd.s32 @!p0 s3, s7;
	s7 =	simm.s32 @!p0 $0x108  }
0x21: {  	s3 =	sadd.s32 s3, s9;
	s6 =	sadd.s32 @!p0 $0x88, s6;
	s7 =	simm.s32 @p2 $0x1082  }
0x22: {  	[simem:s7], [sflag:s8] =	dma.local @!p0 [hbm:s6], $0xF7A  }
0x23: {  	s9 =	sor.u32 $0xD0000000, s2;
	s6 =	simm.s32 $0x108;
	_ =	swait.ge @!p0 [sflag:s8], $0x0  }
0x24: {  	s3 =	sadd.s32 $0x88, s3;
	s6 =	simm.s32 @!p1 $0x1082;
	[sflag:s4] =	ssyncset.s32 $0xFFFFF086  }
0x25: {  	[simem:s6], [sflag:s4] =	dma.local [hbm:s3], $0xF7A  }
0x26: {  	[smem:$0x3F95] =	sst s1;
	(tag) =	ssettag s2;
	_ =	strace s9  }
0x27: {  	s1 =	sld [smem:$0x3FA5]  }
0x28: {  	s2 =	sld [smem:$0x3FA6]  }
0x29: {  	s4 =	sld [smem:$0x3FA8]  }
0x2a: {  	p0 =	seq.s32 s5, $0x0;
	s5 =	sld [smem:$0x3FA9]  }
0x2b: {  	s6 =	sld [smem:$0x3FAA]  }
0x2c: {  	s7 =	sld [smem:$0x3FAB]  }
0x2d: {  	s3 =	simm.s32 $0x108;
	s8 =	sld [smem:$0x3FAC]  }
0x2e: {  	s3 =	simm.s32 @!p0 $0x1082;
	s9 =	sld [smem:$0x3FAD]  }
0x2f: {  	lr =	sadd.s32 s0, s3;
	s0 =	sld [smem:$0x3FA4]  }
0x30: {  	s3 =	sld [smem:$0x3FA7]  }
0x31: {  	[smem:$0x3FB0] =	sst s10  }
0x32: {  	s10 =	sld [smem:$0x3FAE];
	_ =	sdelay $0x3  }
0x33: {  	p0 =	seq.s32 s10, $0x1;
	s10 =	sld [smem:$0x3FB0];
	_ =	sdelay $0x3  }
0x34: {  	[smem:$0x3FB0] =	sst s10  }
0x35: {  	s10 =	sld [smem:$0x3FAF];
	_ =	sdelay $0x3  }
0x36: {  	p1 =	seq.s32 s10, $0x1;
	s10 =	sld [smem:$0x3FB0];
	_ =	sdelay $0x3  }
0x37: {  	[smem:$0x3FB0] =	sst s10  }
0x38: {  	s10 =	sld [smem:$0x3FB1]  }
0x39: {  	_ = 	snop;
	(pc) =	sbr.ind lr, $3  }
0x3a: {  	_ = 	snop  }
0x3b: {  	_ = 	snop  }
0x3c: {  	p2 =	seq.s32 s10, $0x1;
	s10 =	sld [smem:$0x3FB0]  }
0x3d: {  	_ =	shalt  }
0x3e: {  	_ =	shalt  }
0x3f: {  	_ =	shalt  }
0x40: {  	_ =	shalt  }
0x41: {  	_ =	shalt  }
0x42: {  	_ =	shalt  }
0x43: {  	_ =	shalt  }
0x44: {  	_ =	shalt  }
0x45: {  	_ =	shalt  }
0x46: {  	_ =	shalt  }
0x47: {  	_ =	shalt  }
0x48: {  	_ =	shalt  }
0x49: {  	_ =	shalt  }
0x4a: {  	_ =	shalt  }
0x4b: {  	_ =	shalt  }
0x4c: {  	_ =	shalt  }
0x4d: {  	_ =	shalt  }
0x4e: {  	_ =	shalt  }
0x4f: {  	_ =	shalt  }
0x50: {  	_ =	shalt  }
0x51: {  	_ =	shalt  }
0x52: {  	_ =	shalt  }
0x53: {  	_ =	shalt  }
0x54: {  	_ =	shalt  }
0x55: {  	_ =	shalt  }
0x56: {  	_ =	shalt  }
0x57: {  	_ =	shalt  }
0x58: {  	_ =	shalt  }
0x59: {  	_ =	shalt  }
0x5a: {  	_ =	shalt  }
0x5b: {  	_ =	shalt  }
0x5c: {  	_ =	shalt  }
0x5d: {  	_ =	shalt  }
0x5e: {  	_ =	shalt  }
0x5f: {  	_ =	shalt  }
0x60: {  	_ =	shalt  }
0x61: {  	_ =	shalt  }
0x62: {  	_ =	shalt  }
0x63: {  	_ =	shalt  }
0x64: {  	_ =	shalt  }
0x65: {  	_ =	shalt  }
0x66: {  	_ =	shalt  }
0x67: {  	_ =	shalt  }
0x68: {  	_ =	shalt  }
0x69: {  	_ =	shalt  }
0x6a: {  	_ =	shalt  }
0x6b: {  	_ =	shalt  }
0x6c: {  	_ =	shalt  }
0x6d: {  	_ =	shalt  }
0x6e: {  	_ =	shalt  }
0x6f: {  	_ =	shalt  }
0x70: {  	_ =	shalt  }
0x71: {  	_ =	shalt  }
0x72: {  	_ =	shalt  }
0x73: {  	_ =	shalt  }
0x74: {  	_ =	shalt  }
0x75: {  	_ =	shalt  }
0x76: {  	_ =	shalt  }
0x77: {  	_ =	shalt  }
0x78: {  	_ =	shalt  }
0x79: {  	_ =	shalt  }
0x7a: {  	_ =	shalt  }
0x7b: {  	_ =	shalt  }
0x7c: {  	_ =	shalt  }
0x7d: {  	_ =	shalt  }
0x7e: {  	_ =	shalt  }
0x7f: {  	_ =	shalt  }
0x80: {  	_ =	shalt  }
0x81: {  	_ =	shalt  }
0x82: {  	_ =	shalt  }
0x83: {  	_ =	shalt  }
0x84: {  	_ =	shalt  }
0x85: {  	_ =	shalt  }
0x86: {  	_ =	shalt  }
0x87: {  	_ =	shalt  }
.Lfunc_end0:
.L_simem_size_0:
called_computation.2_lowered:
.L_overlay_start_0:
0x88: {  	s0 =	sld [smem:$0x3FD9]  }
0x89: {  	s1 =	sld [smem:$0x3FFE];
	_ =	sdelay $0x3  }
0x8a: {  	s0 =	sadd.s32 s1, s0  }
0x8b: {  	[smem:$0x3FBC] =	sst s0  }
0x8c: {  	_ = 	snop  }
0x8d: {  	(tm) =	ssettm $0x1  }
0x8e: {  	s15 =	sld [smem:$0x3FFB];
	_ =	sdelay $0x3  }
0x8f: {  	_ =	strace s15  }
0x90: {  	s0 =	sld [smem:$0x3FFC];
	_ =	sdelay $0x3  }
0x91: {  	_ =	strace s0  }
0x92: {  	s0 =	sld [smem:$0x3FFD];
	_ =	sdelay $0x3  }
0x93: {  	_ =	strace s0  }
0x94: {  	_ =	strace $0x8FFFFFFF  }
0x95: {  	s16 =	sld [smem:$0x3FDB];
	_ =	sdelay $0x1  }
0x96: {  	s17 =	simm.s32 $_scs_section_size  }
0x97: {  	s2 =	simm.s32 $_size__tile_overlayer_lowered;
	s3 =	simm.s32 $_tile_overlayer_lowered  }
0x98: {  	s20 =	simm.s32 $0x1BFF;
	s19 =	sshll.u32 s3, $0x1;
	s0 =	sadd.s32 s17, s16  }
0x99: {  	s4 =	simm.s32 $0x0;
	s18 =	sshll.u32 s2, $0x1;
	s2 =	sadd.s32 s19, s0  }
0x9a: {  	[timem:s4], [sflag:s20] =	dma.local [hbm:s2], s18  }
0x9b: {  	_ =	swait.ge [sflag:s20], s18  }
0x9c: {  	s1 =	ssub.s32 $0x0, s18;
	[sflag:s20] =	ssyncset.done $0x0  }
0x9d: {  	[sflag:s20] =	ssyncadd.s32 s1;
	_ =	sdelay $0x1  }
0x9e: {  	s21 =	simm.s32 $0x1B8B  }
0x9f: {  	_ =	swait.ge [sflag:s21], $0x1  }
0xa0: {  	[sflag:s21] =	ssyncset.done $0x0  }
0xa1: {  	s23 =	simm.s32 $0x1B8E;
	s22 =	sld [smem:$0x3FFE];
	[sflag:s21] =	ssyncadd.s32 $0xFFFFFFFF  }
0xa2: {  	s24 =	simm.s32 $execute0_lowered;
	[smem:$0x3FD2] =	sst s23  }
0xa3: {  	s2 =	sshll.u32 s24, $0x1;
	_ =	strace $0x8000004C;
	[dreg:$0x1] =	wrdreg $0xFFFFFFFF  }
0xa4: {  	s25 =	simm.s32 $_size_execute0_lowered;
	s0 =	sadd.s32 s0, s2;
	[dreg:$0x0] =	wrdreg $0x0  }
0xa5: {  	s2 =	sshll.u32 s25, $0x1;
	[dreg:$0x2] =	wrdreg s0  }
0xa6: {  	[dreg:$0x3] =	wrdreg s2  }
0xa7: {  	[dreg:$0x4] =	wrdreg $0xC0  }
0xa8: {  	_ =	task [dreg:s4], $0x5FFFF  }
0xa9: {  	[dreg:$0x1] =	wrdreg $0xFFFFFFFF  }
0xaa: {  	[dreg:$0x0] =	wrdreg $0x60  }
0xab: {  	[dreg:$0x2] =	wrdreg s22  }
0xac: {  	[dreg:$0x3] =	wrdreg $0xD0000  }
0xad: {  	[dreg:$0x4] =	wrdreg $0x9  }
0xae: {  	_ =	task.clear_ibuf [dreg:s4], $0x5FFFF;
	_ =	strace $0x9000004C  }
0xaf: {  	s26 =	simm.s32 $0x9;
	_ =	strace $0x8000004E  }
0xb0: {  	_ =	swait.ge [sflag:s26], $0x1  }
0xb1: {  	[sflag:s26] =	ssyncadd.s32 $0xFFFFFFFF  }
0xb2: {  	_ =	strace $0x9000004E  }
0xb3: {  	_ =	sfence  }
0xb4: {  	s28 =	sld [smem:$0x0];
	_ =	sdelay $0x1  }
0xb5: {  	s29 =	srdreg.scid  }
0xb6: {  	s30 =	sshll.u32 s29, $0xD;
	s31 =	sshrl.u32 s29, $0x2  }
0xb7: {  	s1 =	sand.u32 $0x1, s29;
	s2 =	sand.u32 $0x4000, s30;
	s0 =	sadd.s32 s31, s28  }
0xb8: {  	s1 =	sor.u32 s2, s1;
	s0 =	sshll.u32 s0, $0x11  }
0xb9: {  	s0 =	sor.u32 s0, s1  }
0xba: {  	s0 =	sadd.s32 $0x8F2B, s0  }
0xbb: {  	[sflag:s0] =	ssyncadd.remote.s32 $0x1  }
0xbc: {  	_ =	sfence.sel $0xFFFF  }
0xbd: {  	[dreg:$0x0] =	wrdreg $0xFFFFFFFF;
	(pc) =	sbr.abs _section_cstart, $3  }
0xbe: {  	[dreg:$0x1] =	wrdreg $0xFFFFFFFF  }
0xbf: {  	_ =	task.clear_ibuf [dreg:s4], $0x2FFFF;
	_ =	strace $0x9FFFFFFF  }
0xc0: {  	(tm) =	ssettm $0x7FFFFFFF  }
0xc1: {  	_ =	shalt  }
tec
execute0_lowered:
.L_overlay_start_1:
0x0: {  	(tag) =	ssettag $0x1  }
0x1: {  	s9 =	rddreg [dreg:$0x0];
	s0 =	stileid.u32  }
0x2: {  	s2 =	rddreg [dreg:$0x1];
	s3 =	smul.u32 $0x500, s0  }
0x3: {  	s1 =	rddreg [dreg:$0x2];
	s10 =	simm.s32 $0x0  }
0x4: {  	[smem:$0x7FF] =	sst s10;
	s5 =	sadd.s32 s3, s9  }
0x5: {  	s4 =	simm.s32 $0x5;
	_ =	strace $0x8000004D;
	s3 =	sadd.s32 $0x16800, s5  }
0x6: {  	[tilespmem:s10], [sflag:$0x5] =	stream.linear.gather [hbm4b:s3+s10], $0x2800, $0x38;
	[tilespmem:$0x16E00] =	vst v63  }
0x7: {  	_ =	swait.ge [sflag:s4], $0x2800  }
0x8: {  	s13 =	simm.s32 $0x2800;
	s6 =	smul.u32 $0x9E00, s0;
	[sflag:s4] =	ssyncset.done $0x0  }
0x9: {  	s26 =	sshll.u32 s0, $0x6;
	s5 =	sadd.s32 $0x2800, s5;
	[sflag:s4] =	ssyncadd.s32 $0xFFFFD800  }
0xa: {  	[tilespmem:s13], [sflag:$0x5] =	stream.linear.gather [hbm4b:s5+s10], $0x2800, $0x38;
	[tilespmem:$0x16E00] =	vst v63  }
0xb: {  	s3 =	sshrl.u32 s6, $0x3;
	s6 =	sadd.s32 s6, s2;
	_ =	swait.ge [sflag:s4], $0x2800  }
0xc: {  	s25 =	sadd.s32 s3, s9;
	s6 =	sshrl.u32 s6, $0x3;
	[sflag:s4] =	ssyncset.done $0x0  }
0xd: {  	s7 =	sadd.s32 $0x56400, s25;
	s5 =	sor.u32 $0x1C05, s26;
	[sflag:s4] =	ssyncadd.s32 $0xFFFFD800  }
0xe: {  	[spmem:s6], [sflag:s5] =	dma.local [hbm:s7], $0x13C0  }
0xf: {  	_ =	swait.ge [sflag:s4], $0x13C0  }
0x10: {  	[sflag:s4] =	ssyncset.done $0x0  }
0x11: {  	s8 =	simm.s32 $0x80;
	[sflag:s4] =	ssyncadd.s32 $0xFFFFEC40  }
0x12: {  	s11 =	simm.s32 $0x5000;
	s7 =	sadd.s32 $0x1B800, s9;
	[bflag:$0x0] =	sbarrier.arrive $0xFFFF  }
0x13: {  	[tilespmem:s11], [sflag:$0x1] =	stream.indirect.gather [hbm4b:s7+s8], $0x40, s10, s8, $0xb8;
	[tilespmem:$0x16E00] =	vst v63  }
0x14: {  	s28 =	simm.s32 $0x7000  }
0x15: {  	[tilespmem:s28], [sflag:$0x2] =	stream.indirect.gather [hbm4b:s7+s8], $0x40, s8, s8, $0xb8;
	[tilespmem:$0x16E00] =	vst v63  }
0x16: {  	s29 =	simm.s32 $0x100;
	s12 =	simm.s32 $0x9000;
	s14 =	sand.u32 $0x3, s10  }
0x17: {  	[tilespmem:s12], [sflag:$0x3] =	stream.indirect.gather [hbm4b:s7+s8], $0x40, s29, s8, $0xb8;
	[tilespmem:$0x16E00] =	vst v63  }
0x18: {  	s30 =	simm.s32 $0x180;
	s31 =	simm.s32 $0xB000;
	s12 =	sadd.s32 $0x1, s14  }
0x19: {  	[tilespmem:s31], [sflag:$0x4] =	stream.indirect.gather [hbm4b:s7+s8], $0x40, s30, s8, $0xb8;
	[tilespmem:$0x16E00] =	vst v63  }
0x1a: {  	s16 =	simm.s32 $0x2;
	p1 =	por $0x0, $0x0;
	_ =	swait.ge [sflag:s12], $0x2000  }
0x1b: {  	s19 =	simm.s32 @!p1 $0x80;
	s15 =	sshll.u32 s14, $0xD;
	[sflag:s12] =	ssyncset.done $0x0  }
0x1c: {  	s18 =	sadd.s32 $0x5000, s15;
	s15 =	simm.s32 $0x2880;
	[sflag:s12] =	ssyncadd.s32 $0xFFFFE000  }
0x1d: {  	[spmem:s2] =	stream.indirect.scatter.add.f32 [tilespmem:s18], [sflag:$0x5], $0x40, s13, s8, $0xb8;
	[tilespmem:$0x16E00] =	vst v63  }
0x1e: {  	s9 =	sadd.s32 $0x2F200, s9;
	s10 =	simm.s32 $0x1;
	_ =	swait.ge [sflag:s4], $0x2000  }
0x1f: {  	s11 =	simm.s32 $0x200;
	s14 =	sand.u32 $0x3, s10;
	[sflag:s4] =	ssyncset.done $0x0  }
0x20: {  	s17 =	sshll.u32 s14, $0xD;
	s13 =	simm.s32 $0x280;
	[sflag:s4] =	ssyncadd.s32 $0xFFFFE000  }
.LBB2_1:
0x21: {  	[tilespmem:s18], [sflag:s12] =	stream.indirect.gather @!p1 [hbm4b:s7+s19], $0x40, s11, s19, $0xb8;
	[tilespmem:$0x16E00] =	vst v63  }
0x22: {  	s19 =	smov.u32 s10;
	s10 =	smov.u32 s16;
	s11 =	smov.u32 s13  }
0x23: {  	s16 =	sadd.s32 $0x1, s16;
	s12 =	sadd.s32 $0x1, s14;
	s14 =	sand.u32 $0x3, s10  }
0x24: {  	p0 =	sne.s32 s16, $0x50;
	s20 =	sshll.u32 s14, $0xD;
	_ =	swait.ge [sflag:s12], $0x2000  }
0x25: {  	[sflag:s12] =	ssyncset.done $0x0  }
.Ltmp0:
0x26: {  	s18 =	sadd.s32 $0x5000, s17;
	[sflag:s12] =	ssyncadd.s32 $0xFFFFE000;
	(pc) =	sbr.rel @p0 .LBB2_1-.Ltmp0, $4  }
0x27: {  	[spmem:s2] =	stream.indirect.scatter.add.f32 [tilespmem:s18], [sflag:$0x5], $0x40, s15, s8, $0xb8;
	[tilespmem:$0x16E00] =	vst v63  }
0x28: {  	s17 =	smov.u32 s20;
	_ =	swait.ge [sflag:s4], $0x2000  }
0x29: {  	p1 =	sgt.u32 s19, $0x4B;
	s15 =	sadd.s32 $0x80, s15;
	[sflag:s4] =	ssyncset.done $0x0  }
0x2a: {  	s13 =	sadd.s32 $0x80, s13;
	s19 =	simm.s32 @!p1 $0x80;
	[sflag:s4] =	ssyncadd.s32 $0xFFFFE000  }
0x2b: {  	[tilespmem:s18], [sflag:s12] =	stream.indirect.gather @!p1 [hbm4b:s7+s19], $0x40, s11, s19, $0xb8;
	[tilespmem:$0x16E00] =	vst v63  }
0x2c: {  	s11 =	sadd.s32 $0x1, s14  }
0x2d: {  	_ =	swait.ge [sflag:s11], $0x2000  }
0x2e: {  	[sflag:s11] =	ssyncset.done $0x0  }
0x2f: {  	s12 =	sadd.s32 $0x5000, s17;
	[sflag:s11] =	ssyncadd.s32 $0xFFFFE000  }
0x30: {  	[spmem:s2] =	stream.indirect.scatter.add.f32 [tilespmem:s12], [sflag:$0x5], $0x40, s15, s8, $0xb8;
	[tilespmem:$0x16E00] =	vst v63  }
0x31: {  	_ =	swait.ge [sflag:s4], $0x2000  }
0x32: {  	p0 =	sgt.u32 s10, $0x4B;
	[sflag:s4] =	ssyncset.done $0x0  }
0x33: {  	s2 =	simm.s32 @!p0 $0x80;
	[sflag:s4] =	ssyncadd.s32 $0xFFFFE000  }
0x34: {  	[tilespmem:s12], [sflag:s11] =	stream.indirect.gather @!p0 [hbm4b:s7+s2], $0x40, s13, s2, $0xb8;
	[tilespmem:$0x16E00] =	vst v63  }
0x35: {  	s30 =	sadd.s32 s9, s3;
	s31 =	simm.s32 $0x5;
	[bflag:$0x0] =	sbarrier.arrive $0xFFFF  }
0x36: {  	[hbm:s30], [sflag:s5] =	dma.local [spmem:s6], $0x13C0  }
0x37: {  	_ =	swait.ge [sflag:s31], $0x13C0  }
0x38: {  	[sflag:s31] =	ssyncset.done $0x0  }
0x39: {  	[sflag:s31] =	ssyncadd.s32 $0xFFFFEC40  }
0x3a: {  	_ =	sfence.sel $0x180000  }
0x3b: {  	[bflag:$0x0] =	sbarrier.arrive $0xFFFF  }
0x3c: {  	p0 =	sne.s32 s0, $0x0;
	_ =	strace $0x9000004D  }
0x3d: {  	s0 =	sadd.s32 @!p0 $0x100000, s1;
	[bflag:$0x2] =	sbarrier.arrive $0xFFFF  }
0x3e: {  	[sflag:s0] =	ssyncadd.tile.s32 @!p0 $0x1;
	_ =	shalt  }
.Lfunc_end2:
_tile_overlayer_lowered:
.L_overlay_start_2:
0x3f: {  	(tag) =	ssettag $0x2  }
0x40: {  	s0 =	rddreg [dreg:$0x0];
	s2 =	stileid.u32  }
0x41: {  	s1 =	rddreg [dreg:$0x1];
	p0 =	sne.s32 s2, $0x0  }
0x42: {  	s3 =	rddreg [dreg:$0x2];
	[bflag:$0x3] =	sbarrier.arrive $0xFFFF;
	s2 =	simm.s32 @!p0 $0x1C05  }
0x43: {  	[timem:s3], [sflag:s2] =	dma.local @!p0 [hbm:s0], s1  }
0x44: {  	s0 =	simm.s32 @!p0 $0x5  }
0x45: {  	_ =	swait.ge @!p0 [sflag:s0], s1  }
0x46: {  	s1 =	ssub.s32 @!p0 $0x0, s1;
	[sflag:s0] =	ssyncset.done @!p0 $0x0  }
0x47: {  	[sflag:s0] =	ssyncadd.s32 @!p0 s1  }
0x48: {  	[bflag:$0x3] =	sbarrier.arrive $0xFFFF  }
0x49: {  	_ =	shalt  }

// kernel: kernel.9.cloned.1.call-start
scs
__scs_entry_jumppad:
0x0: {  	(pc) =	sbr.rel $0x88, $3  }
0x1: {  	(tag) =	ssettag $0x0;
	lr =	simm.s32 $0x1  }
0x2: {  	[smem:$0x3F95] =	sst lr;
	_ =	strace $0xD0000000  }
0x3: {  	_ = 	snop  }
0x4: {  	_ = 	snop  }
0x5: {  	_ = 	snop  }
0x6: {  	_ = 	snop  }
0x7: {  	_ = 	snop  }
__scs_overlays_trampoline_lowered:
0x8: {  	[smem:$0x3FA4] =	sst s0  }
0x9: {  	[smem:$0x3FA5] =	sst s1  }
0xa: {  	[smem:$0x3FA6] =	sst s2  }
0xb: {  	[smem:$0x3FA7] =	sst s3  }
0xc: {  	[smem:$0x3FA8] =	sst s4  }
0xd: {  	[smem:$0x3FA9] =	sst s5  }
0xe: {  	[smem:$0x3FAA] =	sst s6  }
0xf: {  	[smem:$0x3FAB] =	sst s7  }
0x10: {  	[smem:$0x3FAC] =	sst s8  }
0x11: {  	[smem:$0x3FAD] =	sst s9;
	s0 =	simm.s32 @!p0 $0x0  }
0x12: {  	s1 =	sld [smem:$0x3F93];
	s0 =	simm.s32 @p0 $0x1  }
0x13: {  	[smem:$0x3FAE] =	sst s0;
	s0 =	simm.s32 @!p1 $0x0  }
0x14: {  	s2 =	sld [smem:$0x3F92];
	s0 =	simm.s32 @p1 $0x1  }
0x15: {  	[smem:$0x3FAF] =	sst s0;
	s0 =	simm.s32 @!p2 $0x0  }
0x16: {  	s3 =	sld [smem:$0x3FDB];
	s0 =	simm.s32 @p2 $0x1  }
0x17: {  	s4 =	simm.s32 $0x1BF5;
	[smem:$0x3FB1] =	sst s0  }
0x18: {  	s0 =	sld [smem:$0x3F94];
	_ =	swait.ge [sflag:s4], $0x0  }
0x19: {  	s7 =	sld [smem:$0x3F95]  }
0x1a: {  	s8 =	sadd.s32 $0xFFFFE003, lr  }
0x1b: {  	s9 =	sadd.s32 $0xFFFFFEF7, lr;
	s5 =	simm.s32 $0xFFFFFFFF;
	p2 =	slt.u32 s8, $0xFFFFF086  }
0x1c: {  	p1 =	slt.u32 s9, $0xF7A;
	s5 =	simm.s32 @!p2 $0x0  }
0x1d: {  	s5 =	simm.s32 @p1 $0x1;
	p0 =	seq.s32 s7, s2  }
0x1e: {  	s7 =	smul.u32 @!p0 $0xF7A, s2;
	p2 =	seq.s32 @!p0 s5, $0x0  }
0x1f: {  	s9 =	smul.u32 $0xF7A, s1;
	s8 =	simm.s32 @!p0 $0x1BF5;
	p2 =	por !p2, p0  }
0x20: {  	[sflag:s8] =	ssyncset.s32 @!p0 $0xFFFFF086;
	s6 =	sadd.s32 @!p0 s3, s7;
	s7 =	simm.s32 @!p0 $0x108  }
0x21: {  	s3 =	sadd.s32 s3, s9;
	s6 =	sadd.s32 @!p0 $0x88, s6;
	s7 =	simm.s32 @p2 $0x1082  }
0x22: {  	[simem:s7], [sflag:s8] =	dma.local @!p0 [hbm:s6], $0xF7A  }
0x23: {  	s9 =	sor.u32 $0xD0000000, s2;
	s6 =	simm.s32 $0x108;
	_ =	swait.ge @!p0 [sflag:s8], $0x0  }
0x24: {  	s3 =	sadd.s32 $0x88, s3;
	s6 =	simm.s32 @!p1 $0x1082;
	[sflag:s4] =	ssyncset.s32 $0xFFFFF086  }
0x25: {  	[simem:s6], [sflag:s4] =	dma.local [hbm:s3], $0xF7A  }
0x26: {  	[smem:$0x3F95] =	sst s1;
	(tag) =	ssettag s2;
	_ =	strace s9  }
0x27: {  	s1 =	sld [smem:$0x3FA5]  }
0x28: {  	s2 =	sld [smem:$0x3FA6]  }
0x29: {  	s4 =	sld [smem:$0x3FA8]  }
0x2a: {  	p0 =	seq.s32 s5, $0x0;
	s5 =	sld [smem:$0x3FA9]  }
0x2b: {  	s6 =	sld [smem:$0x3FAA]  }
0x2c: {  	s7 =	sld [smem:$0x3FAB]  }
0x2d: {  	s3 =	simm.s32 $0x108;
	s8 =	sld [smem:$0x3FAC]  }
0x2e: {  	s3 =	simm.s32 @!p0 $0x1082;
	s9 =	sld [smem:$0x3FAD]  }
0x2f: {  	lr =	sadd.s32 s0, s3;
	s0 =	sld [smem:$0x3FA4]  }
0x30: {  	s3 =	sld [smem:$0x3FA7]  }
0x31: {  	[smem:$0x3FB0] =	sst s10  }
0x32: {  	s10 =	sld [smem:$0x3FAE];
	_ =	sdelay $0x3  }
0x33: {  	p0 =	seq.s32 s10, $0x1;
	s10 =	sld [smem:$0x3FB0];
	_ =	sdelay $0x3  }
0x34: {  	[smem:$0x3FB0] =	sst s10  }
0x35: {  	s10 =	sld [smem:$0x3FAF];
	_ =	sdelay $0x3  }
0x36: {  	p1 =	seq.s32 s10, $0x1;
	s10 =	sld [smem:$0x3FB0];
	_ =	sdelay $0x3  }
0x37: {  	[smem:$0x3FB0] =	sst s10  }
0x38: {  	s10 =	sld [smem:$0x3FB1]  }
0x39: {  	_ = 	snop;
	(pc) =	sbr.ind lr, $3  }
0x3a: {  	_ = 	snop  }
0x3b: {  	_ = 	snop  }
0x3c: {  	p2 =	seq.s32 s10, $0x1;
	s10 =	sld [smem:$0x3FB0]  }
0x3d: {  	_ =	shalt  }
0x3e: {  	_ =	shalt  }
0x3f: {  	_ =	shalt  }
0x40: {  	_ =	shalt  }
0x41: {  	_ =	shalt  }
0x42: {  	_ =	shalt  }
0x43: {  	_ =	shalt  }
0x44: {  	_ =	shalt  }
0x45: {  	_ =	shalt  }
0x46: {  	_ =	shalt  }
0x47: {  	_ =	shalt  }
0x48: {  	_ =	shalt  }
0x49: {  	_ =	shalt  }
0x4a: {  	_ =	shalt  }
0x4b: {  	_ =	shalt  }
0x4c: {  	_ =	shalt  }
0x4d: {  	_ =	shalt  }
0x4e: {  	_ =	shalt  }
0x4f: {  	_ =	shalt  }
0x50: {  	_ =	shalt  }
0x51: {  	_ =	shalt  }
0x52: {  	_ =	shalt  }
0x53: {  	_ =	shalt  }
0x54: {  	_ =	shalt  }
0x55: {  	_ =	shalt  }
0x56: {  	_ =	shalt  }
0x57: {  	_ =	shalt  }
0x58: {  	_ =	shalt  }
0x59: {  	_ =	shalt  }
0x5a: {  	_ =	shalt  }
0x5b: {  	_ =	shalt  }
0x5c: {  	_ =	shalt  }
0x5d: {  	_ =	shalt  }
0x5e: {  	_ =	shalt  }
0x5f: {  	_ =	shalt  }
0x60: {  	_ =	shalt  }
0x61: {  	_ =	shalt  }
0x62: {  	_ =	shalt  }
0x63: {  	_ =	shalt  }
0x64: {  	_ =	shalt  }
0x65: {  	_ =	shalt  }
0x66: {  	_ =	shalt  }
0x67: {  	_ =	shalt  }
0x68: {  	_ =	shalt  }
0x69: {  	_ =	shalt  }
0x6a: {  	_ =	shalt  }
0x6b: {  	_ =	shalt  }
0x6c: {  	_ =	shalt  }
0x6d: {  	_ =	shalt  }
0x6e: {  	_ =	shalt  }
0x6f: {  	_ =	shalt  }
0x70: {  	_ =	shalt  }
0x71: {  	_ =	shalt  }
0x72: {  	_ =	shalt  }
0x73: {  	_ =	shalt  }
0x74: {  	_ =	shalt  }
0x75: {  	_ =	shalt  }
0x76: {  	_ =	shalt  }
0x77: {  	_ =	shalt  }
0x78: {  	_ =	shalt  }
0x79: {  	_ =	shalt  }
0x7a: {  	_ =	shalt  }
0x7b: {  	_ =	shalt  }
0x7c: {  	_ =	shalt  }
0x7d: {  	_ =	shalt  }
0x7e: {  	_ =	shalt  }
0x7f: {  	_ =	shalt  }
0x80: {  	_ =	shalt  }
0x81: {  	_ =	shalt  }
0x82: {  	_ =	shalt  }
0x83: {  	_ =	shalt  }
0x84: {  	_ =	shalt  }
0x85: {  	_ =	shalt  }
0x86: {  	_ =	shalt  }
0x87: {  	_ =	shalt  }
.Lfunc_end0:
.L_simem_size_0:
called_computation_lowered:
.L_overlay_start_0:
0x88: {  	s2 =	sld [smem:$0x3FD9]  }
0x89: {  	s3 =	sld [smem:$0x3FFE];
	_ =	sdelay $0x1  }
0x8a: {  	s1 =	srdreg.scid  }
0x8b: {  	s0 =	sand.u32 $0x1, s1  }
0x8c: {  	s16 =	sshll.u32 s0, $0xA;
	s2 =	sadd.s32 s3, s2  }
0x8d: {  	s2 =	sadd.s32 s2, s16  }
0x8e: {  	[smem:$0x3FBC] =	sst s2  }
0x8f: {  	_ = 	snop  }
0x90: {  	(tm) =	ssettm $0x1  }
0x91: {  	s17 =	sld [smem:$0x3FFB];
	_ =	sdelay $0x3  }
0x92: {  	_ =	strace s17  }
0x93: {  	s2 =	sld [smem:$0x3FFC];
	_ =	sdelay $0x3  }
0x94: {  	_ =	strace s2  }
0x95: {  	s2 =	sld [smem:$0x3FFD];
	_ =	sdelay $0x3  }
0x96: {  	_ =	strace s2  }
0x97: {  	_ =	strace $0x8FFFFFFF  }
0x98: {  	s18 =	sld [smem:$0x3FDB];
	_ =	sdelay $0x1  }
0x99: {  	s19 =	simm.s32 $_scs_section_size  }
0x9a: {  	s4 =	simm.s32 $_size__tile_overlayer_lowered;
	s5 =	simm.s32 $_tile_overlayer_lowered  }
0x9b: {  	s22 =	simm.s32 $0x1BFF;
	s21 =	sshll.u32 s5, $0x1;
	s2 =	sadd.s32 s19, s18  }
0x9c: {  	s6 =	simm.s32 $0x0;
	s20 =	sshll.u32 s4, $0x1;
	s4 =	sadd.s32 s21, s2  }
0x9d: {  	[timem:s6], [sflag:s22] =	dma.local [hbm:s4], s20  }
0x9e: {  	_ =	swait.ge [sflag:s22], s20  }
0x9f: {  	s3 =	ssub.s32 $0x0, s20;
	[sflag:s22] =	ssyncset.done $0x0  }
0xa0: {  	[sflag:s22] =	ssyncadd.s32 s3;
	_ =	sdelay $0x1  }
0xa1: {  	s23 =	simm.s32 $0x1B8B  }
0xa2: {  	_ =	swait.ge [sflag:s23], $0x1  }
0xa3: {  	[sflag:s23] =	ssyncset.done $0x0  }
0xa4: {  	s25 =	simm.s32 $0x1B8E;
	s24 =	sld [smem:$0x3FFE];
	[sflag:s23] =	ssyncadd.s32 $0xFFFFFFFF  }
0xa5: {  	s26 =	simm.s32 $execute0_lowered;
	[smem:$0x3FD2] =	sst s25  }
0xa6: {  	s4 =	sshll.u32 s26, $0x1;
	_ =	strace $0x80000046;
	[dreg:$0x1] =	wrdreg $0xFFFFFFFF  }
0xa7: {  	s28 =	simm.s32 $_size_execute0_lowered;
	s2 =	sadd.s32 s2, s4;
	[dreg:$0x0] =	wrdreg $0x0  }
0xa8: {  	s4 =	sshll.u32 s28, $0x1;
	[dreg:$0x2] =	wrdreg s2  }
0xa9: {  	[dreg:$0x3] =	wrdreg s4  }
0xaa: {  	[dreg:$0x4] =	wrdreg $0xC0  }
0xab: {  	_ =	task [dreg:s6], $0x5FFFF  }
0xac: {  	[dreg:$0x1] =	wrdreg $0xFFFFFFFF  }
0xad: {  	[dreg:$0x0] =	wrdreg $0x60  }
0xae: {  	[dreg:$0x2] =	wrdreg s24  }
0xaf: {  	[dreg:$0x3] =	wrdreg $0x1C000  }
0xb0: {  	[dreg:$0x4] =	wrdreg $0x9  }
0xb1: {  	_ =	task.clear_ibuf [dreg:s6], $0x5FFFF;
	_ =	strace $0x90000046  }
0xb2: {  	s29 =	simm.s32 $0x9;
	_ =	strace $0x80000048  }
0xb3: {  	_ =	swait.ge [sflag:s29], $0x1  }
0xb4: {  	[sflag:s29] =	ssyncadd.s32 $0xFFFFFFFF  }
0xb5: {  	_ =	strace $0x90000048  }
0xb6: {  	_ =	sfence  }
0xb7: {  	s30 =	sld [smem:$0x0];
	_ =	sdelay $0x2  }
0xb8: {  	s31 =	sshll.u32 s1, $0xD;
	s1 =	sshrl.u32 s1, $0x2  }
0xb9: {  	s3 =	sand.u32 $0x4000, s31;
	s1 =	sadd.s32 s1, s30  }
0xba: {  	s0 =	sor.u32 s3, s0;
	s1 =	sshll.u32 s1, $0x11  }
0xbb: {  	s0 =	sor.u32 s1, s0  }
0xbc: {  	s0 =	sadd.s32 $0x8F2B, s0  }
0xbd: {  	[sflag:s0] =	ssyncadd.remote.s32 $0x1  }
0xbe: {  	_ =	sfence.sel $0xFFFF  }
0xbf: {  	[dreg:$0x0] =	wrdreg $0xFFFFFFFF;
	(pc) =	sbr.abs _section_cstart, $3  }
0xc0: {  	[dreg:$0x1] =	wrdreg $0xFFFFFFFF  }
0xc1: {  	_ =	task.clear_ibuf [dreg:s6], $0x2FFFF;
	_ =	strace $0x9FFFFFFF  }
0xc2: {  	(tm) =	ssettm $0x7FFFFFFF  }
0xc3: {  	_ =	shalt  }
tec
execute0_lowered:
.L_overlay_start_1:
0x0: {  	(tag) =	ssettag $0x1  }
0x1: {  	s6 =	rddreg [dreg:$0x0]  }
0x2: {  	s0 =	srdreg.scid;
	s2 =	rddreg [dreg:$0x1]  }
0x3: {  	s3 =	simm.s32 $0x0;
	s5 =	sand.u32 $0x1, s0;
	s0 =	stileid.u32  }
0x4: {  	s13 =	simm.s32 $0x80;
	s14 =	simm.s32 $0x0;
	s7 =	smul.u32 $0x2780, s0  }
0x5: {  	[smem:$0x7FF] =	sst s3;
	s1 =	sshll.u32 s5, $0x4;
	s8 =	smul.u32 $0x27800, s5  }
0x6: {  	s5 =	ssub.s32 $0x2, s5;
	s31 =	sshll.u32 s0, $0x6;
	s1 =	sor.u32 s0, s1  }
0x7: {  	s11 =	sshrl.u32 s5, $0x1;
	s4 =	smul.u32 $0x280, s1;
	s1 =	rddreg [dreg:$0x2]  }
0x8: {  	_ =	strace $0x80000047;
	s8 =	sadd.s32 s7, s8;
	s10 =	sshrl.u32 s7, $0x3  }
0x9: {  	s11 =	ssub.s32 s5, s11;
	s12 =	sadd.s32 s7, s2;
	s8 =	sshrl.u32 s8, $0x3  }
0xa: {  	s10 =	sadd.s32 s10, s6;
	s12 =	sshrl.u32 s12, $0x3;
	s9 =	sadd.s32 s4, s6  }
0xb: {  	s4 =	sadd.s32 $0xC800, s6;
	s8 =	sadd.s32 s8, s6;
	s6 =	sadd.s32 $0x7800, s10  }
0xc: {  	s10 =	simm.s32 $0x1400;
	s5 =	sadd.s32 $0x2800, s9;
	s7 =	sadd.s32 $0xCA00, s8  }
0xd: {  	s8 =	smax.u32 s11, $0x1;
	s9 =	simm.s32 $0x1;
	s11 =	sor.u32 $0x1C01, s31  }
.LBB2_1:
0xe: {  	[tilespmem:s3], [sflag:$0x1] =	stream.linear.gather [hbm4b:s5+s3], $0x1400, $0x38;
	[tilespmem:$0x4380] =	vst v63  }
0xf: {  	_ =	swait.ge [sflag:s9], $0x1400  }
0x10: {  	[sflag:s9] =	ssyncset.done $0x0  }
0x11: {  	[sflag:s9] =	ssyncadd.s32 $0xFFFFEC00  }
0x12: {  	[tilespmem:s10], [sflag:$0x1] =	stream.linear.gather [hbm4b:s4+s3], $0x800, $0x38;
	[tilespmem:$0x4380] =	vst v63  }
0x13: {  	_ =	swait.ge [sflag:s9], $0x800  }
0x14: {  	[sflag:s9] =	ssyncset.done $0x0  }
0x15: {  	[sflag:s9] =	ssyncadd.s32 $0xFFFFF800  }
0x16: {  	[spmem:s12], [sflag:s11] =	dma.local [hbm:s6], $0x4F0  }
0x17: {  	_ =	swait.ge [sflag:s9], $0x4F0  }
0x18: {  	[sflag:s9] =	ssyncset.done $0x0  }
0x19: {  	[sflag:s9] =	ssyncadd.s32 $0xFFFFFB10  }
0x1a: {  	s15 =	simm.s32 $0x0;
	[bflag:$0x0] =	sbarrier.arrive $0xFFFF  }
0x1b: {  	[spmem:s2] =	stream.indirect.scatter.add.f32 [tilespmem:s10], [sflag:$0x1], $0x10, s15, s13, $0xb8;
	[tilespmem:$0x4380] =	vst v63  }
0x1c: {  	_ =	swait.ge [sflag:s9], $0x800  }
0x1d: {  	s15 =	simm.s32 $0x200;
	[sflag:s9] =	ssyncset.done $0x0  }
.LBB2_2:
0x1e: {  	s16 =	sshra.s32 s15, $0x2;
	[sflag:s9] =	ssyncadd.s32 $0xFFFFF800;
	p0 =	sne.s32 s15, $0x4E00  }
0x1f: {  	[spmem:s2] =	stream.indirect.scatter.add.f32 [tilespmem:s10], [sflag:$0x1], $0x10, s16, s13, $0xb8;
	[tilespmem:$0x4380] =	vst v63  }
.Ltmp0:
0x20: {  	_ = 	snop;
	(pc) =	sbr.rel @p0 .LBB2_2-.Ltmp0, $4  }
0x21: {  	_ = 	snop  }
0x22: {  	s15 =	sadd.s32 $0x200, s15  }
0x23: {  	_ =	swait.ge [sflag:s9], $0x800  }
0x24: {  	[sflag:s9] =	ssyncset.done $0x0  }
0x25: {  	s14 =	sadd.s32 $0x1, s14  }
0x26: {  	[sflag:s9] =	ssyncadd.s32 $0xFFFFF800;
	p0 =	sne.s32 s14, s8  }
.Ltmp1:
0x27: {  	[bflag:$0x0] =	sbarrier.arrive $0xFFFF;
	(pc) =	sbr.rel @p0 .LBB2_1-.Ltmp1, $4  }
0x28: {  	[hbm:s7], [sflag:s11] =	dma.local [spmem:s12], $0x4F0  }
0x29: {  	_ =	swait.ge [sflag:s9], $0x4F0  }
0x2a: {  	[sflag:s9] =	ssyncset.done $0x0  }
0x2b: {  	[sflag:s9] =	ssyncadd.s32 $0xFFFFFB10  }
0x2c: {  	_ =	sfence.sel $0x180000  }
0x2d: {  	[bflag:$0x0] =	sbarrier.arrive $0xFFFF  }
0x2e: {  	p0 =	sne.s32 s0, $0x0;
	_ =	strace $0x90000047  }
0x2f: {  	s0 =	sadd.s32 @!p0 $0x100000, s1;
	[bflag:$0x2] =	sbarrier.arrive $0xFFFF  }
0x30: {  	[sflag:s0] =	ssyncadd.tile.s32 @!p0 $0x1;
	_ =	shalt  }
.Lfunc_end2:
_tile_overlayer_lowered:
.L_overlay_start_2:
0x31: {  	(tag) =	ssettag $0x2  }
0x32: {  	s0 =	rddreg [dreg:$0x0];
	s2 =	stileid.u32  }
0x33: {  	s1 =	rddreg [dreg:$0x1];
	p0 =	sne.s32 s2, $0x0  }
0x34: {  	s3 =	rddreg [dreg:$0x2];
	[bflag:$0x3] =	sbarrier.arrive $0xFFFF;
	s2 =	simm.s32 @!p0 $0x1C01  }
0x35: {  	[timem:s3], [sflag:s2] =	dma.local @!p0 [hbm:s0], s1  }
0x36: {  	s0 =	simm.s32 @!p0 $0x1  }
0x37: {  	_ =	swait.ge @!p0 [sflag:s0], s1  }
0x38: {  	s1 =	ssub.s32 @!p0 $0x0, s1;
	[sflag:s0] =	ssyncset.done @!p0 $0x0  }
0x39: {  	[sflag:s0] =	ssyncadd.s32 @!p0 s1  }
0x3a: {  	[bflag:$0x3] =	sbarrier.arrive $0xFFFF  }
0x3b: {  	_ =	shalt  }

</sc_bundles>
